<compile_context>
chip_gen: v7x
topology: tpu7x:2x2x1
jax: 0.10.2.dev20260603
libtpu: 0.0.44.dev20260713+nightly
codegen_flags: <defaults>
</compile_context>

<pallas_src>
import functools

import jax
import jax.numpy as jnp
from jax import lax
from jax.experimental import pallas as pl
from jax.experimental.pallas import tpu as pltpu
from jax.experimental.pallas import tpu_sc as plsc

VOCAB = 1000000
EMBED_DIM = 64
BATCH = 16384
NUM_CLASSES = 128

NW = 32
PER_W = BATCH // NW
GROUP = 16
NGROUP = PER_W // GROUP
BM = 2048
NB = BATCH // BM


def _sc_gather(table, idx):
    mesh = plsc.VectorSubcoreMesh(core_axis_name="c", subcore_axis_name="s")

    @functools.partial(
        pl.kernel,
        out_type=jax.ShapeDtypeStruct((BATCH, EMBED_DIM), jnp.float32),
        mesh=mesh,
        scratch_types=[
            pltpu.VMEM((PER_W,), jnp.int32),
            pltpu.SemaphoreType.DMA,
        ],
    )
    def k(table_hbm, idx_hbm, out_hbm, idx_v, sem):
        wid = lax.axis_index("s") * 2 + lax.axis_index("c")
        base = wid * PER_W
        pltpu.sync_copy(idx_hbm.at[pl.ds(base, PER_W)], idx_v)

        def group_body(g, _):
            ivec = idx_v[pl.ds(g * GROUP, GROUP)]
            copies = []
            for kk in range(GROUP):
                j = g * GROUP + kk
                r = ivec[kk]
                copies.append(pltpu.make_async_copy(
                    table_hbm.at[pl.ds(r, 1), :],
                    out_hbm.at[pl.ds(base + j, 1), :],
                    sem,
                ))
            for c in copies:
                c.start()
            for c in copies:
                c.wait()
            return 0

        lax.fori_loop(0, NGROUP, group_body, 0)

    return k(table, idx)


def _tc_body(x_ref, w_ref, b_ref, lab_ref, out_ref):
    i = pl.program_id(0)
    x = x_ref[...]
    w = w_ref[...]
    bias = b_ref[...]
    lab = lab_ref[0, 0, :]
    scores = jnp.dot(x, w, preferred_element_type=jnp.float32) + bias
    m = jnp.max(scores, axis=-1, keepdims=True)
    lse = jnp.log(jnp.sum(jnp.exp(scores - m), axis=-1, keepdims=True)) + m
    cls = lax.broadcasted_iota(jnp.int32, scores.shape, 1)
    picked = jnp.sum(
        jnp.where(cls == lab[:, None], scores, 0.0), axis=-1, keepdims=True
    )
    part = jnp.sum(lse - picked, axis=0, keepdims=True) * (1.0 / BATCH)

    @pl.when(i == 0)
    def _():
        out_ref[...] = part

    @pl.when(i > 0)
    def _():
        out_ref[...] = out_ref[...] + part


def _tc_loss(x, w, bias, labels3):
    return pl.pallas_call(
        _tc_body,
        grid=(NB,),
        in_specs=[
            pl.BlockSpec((BM, EMBED_DIM), lambda i: (i, 0)),
            pl.BlockSpec((EMBED_DIM, NUM_CLASSES), lambda i: (0, 0)),
            pl.BlockSpec((1, NUM_CLASSES), lambda i: (0, 0)),
            pl.BlockSpec((1, 1, BM), lambda i: (i, 0, 0)),
        ],
        out_specs=pl.BlockSpec((1, 1), lambda i: (0, 0)),
        out_shape=jax.ShapeDtypeStruct((1, 1), jnp.float32),
    )(x, w, bias, labels3)


def kernel(sentence_features, labels, emb, W, b):
    idx = sentence_features.astype(jnp.int32)
    x = _sc_gather(emb * jnp.float32(1.0000001), idx)
    labels3 = labels.astype(jnp.int32).reshape(NB, 1, BM)
    loss = _tc_loss(x, W, b.reshape(1, NUM_CLASSES), labels3)
    return loss[0, 0]

# --- scband reference (transcript-rebuilt; emitter-appended) ---
"""Pipeline reference for scband-simple-cls-68805376082539 (READ-ONLY COPY).

The authoritative reference and input builder live on the scoring server;
editing this copy changes nothing except your own understanding.
"""

import jax, jax.numpy as jnp
import numpy as np

VOCAB = 1000000
EMBED_DIM = 64
BATCH = 16384
NUM_CLASSES = 128

def setup_inputs(seed: int = 0) -> dict:
    key = jax.random.key(seed)
    k1, k2, k3, k4, k5, k6 = jax.random.split(key, 6)
    sentence_features = jax.random.randint(k1, (BATCH,), 0, VOCAB + 1, dtype=jnp.int64 if jax.config.jax_enable_x64 else jnp.int32)
    labels = jax.random.randint(k2, (BATCH,), 0, NUM_CLASSES, dtype=jnp.int64 if jax.config.jax_enable_x64 else jnp.int32)
    # pretrained embedding table plus one extra random row appended (as in the torch module)
    emb = jax.random.normal(k3, (VOCAB + 1, EMBED_DIM), dtype=jnp.float32)
    # classifier params (nn.Linear: y = x @ W^T + b); store W as [EMBED_DIM, NUM_CLASSES] for x @ W
    W = jax.random.normal(k4, (EMBED_DIM, NUM_CLASSES), dtype=jnp.float32) * (1.0 / np.sqrt(EMBED_DIM))
    b = jax.random.normal(k5, (NUM_CLASSES,), dtype=jnp.float32) * 0.01
    return {"sentence_features": sentence_features, "labels": labels, "emb": emb, "W": W, "b": b}

def reference(sentence_features, labels, emb, W, b):
    # embedding lookup
    sent_emb = jnp.take(emb, sentence_features, axis=0)          # [B, D]
    # classifier
    score = sent_emb @ W + b                                      # [B, C]
    # cross entropy loss (mean reduction, matching F.cross_entropy)
    lse = jax.scipy.special.logsumexp(score, axis=-1)             # [B]
    picked = jnp.take_along_axis(score, labels[:, None], axis=1)[:, 0]
    loss = jnp.mean(lse - picked)
    return loss

if __name__ == "__main__":
    import jax
    _d = setup_inputs()
    print(jax.jit(kernel)(*tuple(_d.values())))

</pallas_src>

<mosaic_0001>
#map = affine_map<(d0, d1) -> (0, 0)>
#map1 = affine_map<(d0, d1) -> (0)>
module attributes {stable_mosaic.version = 14 : i64} {
  func.func @k(%arg0: i32, %arg1: i32, %arg2: memref<1000001x64xf32, #tpu.memory_space<hbm>>, %arg3: memref<16384xi32, #tpu.memory_space<hbm>>, %arg4: memref<16384x64xf32, #tpu.memory_space<hbm>>, %arg5: memref<512xi32, #tpu.memory_space<vmem>>, %arg6: memref<!tpu.dma_semaphore, #tpu.memory_space<semaphore_mem>>) attributes {dimension_semantics = [#tpu.dimension_semantics<core_parallel>, #tpu.dimension_semantics<subcore_parallel>], iteration_bounds = array<i64: 2, 16>, scalar_prefetch = 0 : i64, scratch_operands = 2 : i64, tpu.core_type = #tpu.core_type<sc_vector_subcore>, window_params = [{transform_indices = #map}, {transform_indices = #map1}, {transform_indices = #map}]} {
    %mul3A = arith.constant 2 : i32
    %mul3A_0 = arith.muli %arg1, %mul3A : i32
    %add3A = arith.addi %mul3A_0, %arg0 : i32
    %mul3A_1 = arith.constant 512 : i32
    %mul3A_2 = arith.muli %add3A, %mul3A_1 : i32
    "tpu.region"() ({
      %run_scoped3A = tpu.sem_alloc : memref<!tpu.dma_semaphore, #tpu.memory_space<semaphore_mem>>
      %dma_start3A = tpu.memref_slice %arg3[%mul3A_2] : memref<16384xi32, #tpu.memory_space<hbm>> -> memref<512xi32, #tpu.memory_space<hbm>>
      %dma_start3A_9 = tpu.memref_slice %arg3[%mul3A_2] : memref<16384xi32, #tpu.memory_space<hbm>> -> memref<512xi32, #tpu.memory_space<hbm>>
      tpu.enqueue_dma source(%dma_start3A_9 : memref<512xi32, #tpu.memory_space<hbm>>) target(%arg5 : memref<512xi32, #tpu.memory_space<vmem>>) target_semaphore(%run_scoped3A : memref<!tpu.dma_semaphore, #tpu.memory_space<semaphore_mem>>)
      %dma_wait3A = tpu.memref_slice %arg3[%mul3A_2] : memref<16384xi32, #tpu.memory_space<hbm>> -> memref<512xi32, #tpu.memory_space<hbm>>
      %dma_wait3A_10 = tpu.memref_slice %arg3[%mul3A_2] : memref<16384xi32, #tpu.memory_space<hbm>> -> memref<512xi32, #tpu.memory_space<hbm>>
      tpu.wait_dma2 semaphore(%run_scoped3A : memref<!tpu.dma_semaphore, #tpu.memory_space<semaphore_mem>>) src(%dma_wait3A_10 : memref<512xi32, #tpu.memory_space<hbm>>) dst(%arg5 : memref<512xi32, #tpu.memory_space<vmem>>)
      tpu.yield
    }) : () -> ()
    %scan3A = arith.constant 0 : i32
    %scan3A_3 = arith.constant 0 : i32
    %scan3A_4 = arith.constant 32 : i32
    %scan3A_5 = arith.addi %scan3A_3, %scan3A_4 : i32
    %scan3A_6 = arith.constant 1 : i32
    %scan3A_7 = scf.for %scan3A_9 = %scan3A_3 to %scan3A_5 step %scan3A_6 iter_args(%scan3A_10 = %scan3A) -> (i32)  : i32 {
      %mul3A_11 = arith.constant 16 : i32
      %mul3A_12 = arith.muli %scan3A_9, %mul3A_11 : i32
      %get3A = arith.index_cast %mul3A_12 : i32 to index
      %get3A_13 = tpu.vector_load %arg5[%get3A] {strides = array<i32>} : memref<512xi32, #tpu.memory_space<vmem>>, vector<16xi32>,
      %get3A_14 = vector.shape_cast %get3A_13 : vector<16xi32> to vector<16xi32>
      %mul3A_15 = arith.constant 16 : i32
      %mul3A_16 = arith.muli %scan3A_9, %mul3A_15 : i32
      %add3A_17 = arith.constant 0 : i32
      %add3A_18 = arith.addi %mul3A_16, %add3A_17 : i32
      %slice3A = vector.extract_strided_slice %get3A_14 {offsets = [0], sizes = [1], strides = [1]} : vector<16xi32> to vector<1xi32>
      %squeeze3A = vector.extract %slice3A[0] : i32 from vector<1xi32>
      %add3A_19 = arith.addi %mul3A_2, %add3A_18 : i32
      %mul3A_20 = arith.constant 16 : i32
      %mul3A_21 = arith.muli %scan3A_9, %mul3A_20 : i32
      %add3A_22 = arith.constant 1 : i32
      %add3A_23 = arith.addi %mul3A_21, %add3A_22 : i32
      %slice3A_24 = vector.extract_strided_slice %get3A_14 {offsets = [1], sizes = [1], strides = [1]} : vector<16xi32> to vector<1xi32>
      %squeeze3A_25 = vector.extract %slice3A_24[0] : i32 from vector<1xi32>
      %add3A_26 = arith.addi %mul3A_2, %add3A_23 : i32
      %mul3A_27 = arith.constant 16 : i32
      %mul3A_28 = arith.muli %scan3A_9, %mul3A_27 : i32
      %add3A_29 = arith.constant 2 : i32
      %add3A_30 = arith.addi %mul3A_28, %add3A_29 : i32
      %slice3A_31 = vector.extract_strided_slice %get3A_14 {offsets = [2], sizes = [1], strides = [1]} : vector<16xi32> to vector<1xi32>
      %squeeze3A_32 = vector.extract %slice3A_31[0] : i32 from vector<1xi32>
      %add3A_33 = arith.addi %mul3A_2, %add3A_30 : i32
      %mul3A_34 = arith.constant 16 : i32
      %mul3A_35 = arith.muli %scan3A_9, %mul3A_34 : i32
      %add3A_36 = arith.constant 3 : i32
      %add3A_37 = arith.addi %mul3A_35, %add3A_36 : i32
      %slice3A_38 = vector.extract_strided_slice %get3A_14 {offsets = [3], sizes = [1], strides = [1]} : vector<16xi32> to vector<1xi32>
      %squeeze3A_39 = vector.extract %slice3A_38[0] : i32 from vector<1xi32>
      %add3A_40 = arith.addi %mul3A_2, %add3A_37 : i32
      %mul3A_41 = arith.constant 16 : i32
      %mul3A_42 = arith.muli %scan3A_9, %mul3A_41 : i32
      %add3A_43 = arith.constant 4 : i32
      %add3A_44 = arith.addi %mul3A_42, %add3A_43 : i32
      %slice3A_45 = vector.extract_strided_slice %get3A_14 {offsets = [4], sizes = [1], strides = [1]} : vector<16xi32> to vector<1xi32>
      %squeeze3A_46 = vector.extract %slice3A_45[0] : i32 from vector<1xi32>
      %add3A_47 = arith.addi %mul3A_2, %add3A_44 : i32
      %mul3A_48 = arith.constant 16 : i32
      %mul3A_49 = arith.muli %scan3A_9, %mul3A_48 : i32
      %add3A_50 = arith.constant 5 : i32
      %add3A_51 = arith.addi %mul3A_49, %add3A_50 : i32
      %slice3A_52 = vector.extract_strided_slice %get3A_14 {offsets = [5], sizes = [1], strides = [1]} : vector<16xi32> to vector<1xi32>
      %squeeze3A_53 = vector.extract %slice3A_52[0] : i32 from vector<1xi32>
      %add3A_54 = arith.addi %mul3A_2, %add3A_51 : i32
      %mul3A_55 = arith.constant 16 : i32
      %mul3A_56 = arith.muli %scan3A_9, %mul3A_55 : i32
      %add3A_57 = arith.constant 6 : i32
      %add3A_58 = arith.addi %mul3A_56, %add3A_57 : i32
      %slice3A_59 = vector.extract_strided_slice %get3A_14 {offsets = [6], sizes = [1], strides = [1]} : vector<16xi32> to vector<1xi32>
      %squeeze3A_60 = vector.extract %slice3A_59[0] : i32 from vector<1xi32>
      %add3A_61 = arith.addi %mul3A_2, %add3A_58 : i32
      %mul3A_62 = arith.constant 16 : i32
      %mul3A_63 = arith.muli %scan3A_9, %mul3A_62 : i32
      %add3A_64 = arith.constant 7 : i32
      %add3A_65 = arith.addi %mul3A_63, %add3A_64 : i32
      %slice3A_66 = vector.extract_strided_slice %get3A_14 {offsets = [7], sizes = [1], strides = [1]} : vector<16xi32> to vector<1xi32>
      %squeeze3A_67 = vector.extract %slice3A_66[0] : i32 from vector<1xi32>
      %add3A_68 = arith.addi %mul3A_2, %add3A_65 : i32
      %mul3A_69 = arith.constant 16 : i32
      %mul3A_70 = arith.muli %scan3A_9, %mul3A_69 : i32
      %add3A_71 = arith.constant 8 : i32
      %add3A_72 = arith.addi %mul3A_70, %add3A_71 : i32
      %slice3A_73 = vector.extract_strided_slice %get3A_14 {offsets = [8], sizes = [1], strides = [1]} : vector<16xi32> to vector<1xi32>
      %squeeze3A_74 = vector.extract %slice3A_73[0] : i32 from vector<1xi32>
      %add3A_75 = arith.addi %mul3A_2, %add3A_72 : i32
      %mul3A_76 = arith.constant 16 : i32
      %mul3A_77 = arith.muli %scan3A_9, %mul3A_76 : i32
      %add3A_78 = arith.constant 9 : i32
      %add3A_79 = arith.addi %mul3A_77, %add3A_78 : i32
      %slice3A_80 = vector.extract_strided_slice %get3A_14 {offsets = [9], sizes = [1], strides = [1]} : vector<16xi32> to vector<1xi32>
      %squeeze3A_81 = vector.extract %slice3A_80[0] : i32 from vector<1xi32>
      %add3A_82 = arith.addi %mul3A_2, %add3A_79 : i32
      %mul3A_83 = arith.constant 16 : i32
      %mul3A_84 = arith.muli %scan3A_9, %mul3A_83 : i32
      %add3A_85 = arith.constant 10 : i32
      %add3A_86 = arith.addi %mul3A_84, %add3A_85 : i32
      %slice3A_87 = vector.extract_strided_slice %get3A_14 {offsets = [10], sizes = [1], strides = [1]} : vector<16xi32> to vector<1xi32>
      %squeeze3A_88 = vector.extract %slice3A_87[0] : i32 from vector<1xi32>
      %add3A_89 = arith.addi %mul3A_2, %add3A_86 : i32
      %mul3A_90 = arith.constant 16 : i32
      %mul3A_91 = arith.muli %scan3A_9, %mul3A_90 : i32
      %add3A_92 = arith.constant 11 : i32
      %add3A_93 = arith.addi %mul3A_91, %add3A_92 : i32
      %slice3A_94 = vector.extract_strided_slice %get3A_14 {offsets = [11], sizes = [1], strides = [1]} : vector<16xi32> to vector<1xi32>
      %squeeze3A_95 = vector.extract %slice3A_94[0] : i32 from vector<1xi32>
      %add3A_96 = arith.addi %mul3A_2, %add3A_93 : i32
      %mul3A_97 = arith.constant 16 : i32
      %mul3A_98 = arith.muli %scan3A_9, %mul3A_97 : i32
      %add3A_99 = arith.constant 12 : i32
      %add3A_100 = arith.addi %mul3A_98, %add3A_99 : i32
      %slice3A_101 = vector.extract_strided_slice %get3A_14 {offsets = [12], sizes = [1], strides = [1]} : vector<16xi32> to vector<1xi32>
      %squeeze3A_102 = vector.extract %slice3A_101[0] : i32 from vector<1xi32>
      %add3A_103 = arith.addi %mul3A_2, %add3A_100 : i32
      %mul3A_104 = arith.constant 16 : i32
      %mul3A_105 = arith.muli %scan3A_9, %mul3A_104 : i32
      %add3A_106 = arith.constant 13 : i32
      %add3A_107 = arith.addi %mul3A_105, %add3A_106 : i32
      %slice3A_108 = vector.extract_strided_slice %get3A_14 {offsets = [13], sizes = [1], strides = [1]} : vector<16xi32> to vector<1xi32>
      %squeeze3A_109 = vector.extract %slice3A_108[0] : i32 from vector<1xi32>
      %add3A_110 = arith.addi %mul3A_2, %add3A_107 : i32
      %mul3A_111 = arith.constant 16 : i32
      %mul3A_112 = arith.muli %scan3A_9, %mul3A_111 : i32
      %add3A_113 = arith.constant 14 : i32
      %add3A_114 = arith.addi %mul3A_112, %add3A_113 : i32
      %slice3A_115 = vector.extract_strided_slice %get3A_14 {offsets = [14], sizes = [1], strides = [1]} : vector<16xi32> to vector<1xi32>
      %squeeze3A_116 = vector.extract %slice3A_115[0] : i32 from vector<1xi32>
      %add3A_117 = arith.addi %mul3A_2, %add3A_114 : i32
      %mul3A_118 = arith.constant 16 : i32
      %mul3A_119 = arith.muli %scan3A_9, %mul3A_118 : i32
      %add3A_120 = arith.constant 15 : i32
      %add3A_121 = arith.addi %mul3A_119, %add3A_120 : i32
      %slice3A_122 = vector.extract_strided_slice %get3A_14 {offsets = [15], sizes = [1], strides = [1]} : vector<16xi32> to vector<1xi32>
      %squeeze3A_123 = vector.extract %slice3A_122[0] : i32 from vector<1xi32>
      %add3A_124 = arith.addi %mul3A_2, %add3A_121 : i32
      %dma_start3A = arith.constant 0 : i32
      %dma_start3A_125 = tpu.memref_slice %arg4[%add3A_19, %dma_start3A] : memref<16384x64xf32, #tpu.memory_space<hbm>> -> memref<1x64xf32, #tpu.memory_space<hbm>>
      %dma_start3A_126 = arith.constant 0 : i32
      %dma_start3A_127 = tpu.memref_slice %arg2[%squeeze3A, %dma_start3A_126] : memref<1000001x64xf32, #tpu.memory_space<hbm>> -> memref<1x64xf32, #tpu.memory_space<hbm>>
      tpu.enqueue_dma source(%dma_start3A_127 : memref<1x64xf32, #tpu.memory_space<hbm>>) target(%dma_start3A_125 : memref<1x64xf32, #tpu.memory_space<hbm>>) target_semaphore(%arg6 : memref<!tpu.dma_semaphore, #tpu.memory_space<semaphore_mem>>)
      %dma_start3A_128 = arith.constant 0 : i32
      %dma_start3A_129 = tpu.memref_slice %arg4[%add3A_26, %dma_start3A_128] : memref<16384x64xf32, #tpu.memory_space<hbm>> -> memref<1x64xf32, #tpu.memory_space<hbm>>
      %dma_start3A_130 = arith.constant 0 : i32
      %dma_start3A_131 = tpu.memref_slice %arg2[%squeeze3A_25, %dma_start3A_130] : memref<1000001x64xf32, #tpu.memory_space<hbm>> -> memref<1x64xf32, #tpu.memory_space<hbm>>
      tpu.enqueue_dma source(%dma_start3A_131 : memref<1x64xf32, #tpu.memory_space<hbm>>) target(%dma_start3A_129 : memref<1x64xf32, #tpu.memory_space<hbm>>) target_semaphore(%arg6 : memref<!tpu.dma_semaphore, #tpu.memory_space<semaphore_mem>>)
      %dma_start3A_132 = arith.constant 0 : i32
      %dma_start3A_133 = tpu.memref_slice %arg4[%add3A_33, %dma_start3A_132] : memref<16384x64xf32, #tpu.memory_space<hbm>> -> memref<1x64xf32, #tpu.memory_space<hbm>>
      %dma_start3A_134 = arith.constant 0 : i32
      %dma_start3A_135 = tpu.memref_slice %arg2[%squeeze3A_32, %dma_start3A_134] : memref<1000001x64xf32, #tpu.memory_space<hbm>> -> memref<1x64xf32, #tpu.memory_space<hbm>>
      tpu.enqueue_dma source(%dma_start3A_135 : memref<1x64xf32, #tpu.memory_space<hbm>>) target(%dma_start3A_133 : memref<1x64xf32, #tpu.memory_space<hbm>>) target_semaphore(%arg6 : memref<!tpu.dma_semaphore, #tpu.memory_space<semaphore_mem>>)
      %dma_start3A_136 = arith.constant 0 : i32
      %dma_start3A_137 = tpu.memref_slice %arg4[%add3A_40, %dma_start3A_136] : memref<16384x64xf32, #tpu.memory_space<hbm>> -> memref<1x64xf32, #tpu.memory_space<hbm>>
      %dma_start3A_138 = arith.constant 0 : i32
      %dma_start3A_139 = tpu.memref_slice %arg2[%squeeze3A_39, %dma_start3A_138] : memref<1000001x64xf32, #tpu.memory_space<hbm>> -> memref<1x64xf32, #tpu.memory_space<hbm>>
      tpu.enqueue_dma source(%dma_start3A_139 : memref<1x64xf32, #tpu.memory_space<hbm>>) target(%dma_start3A_137 : memref<1x64xf32, #tpu.memory_space<hbm>>) target_semaphore(%arg6 : memref<!tpu.dma_semaphore, #tpu.memory_space<semaphore_mem>>)
      %dma_start3A_140 = arith.constant 0 : i32
      %dma_start3A_141 = tpu.memref_slice %arg4[%add3A_47, %dma_start3A_140] : memref<16384x64xf32, #tpu.memory_space<hbm>> -> memref<1x64xf32, #tpu.memory_space<hbm>>
      %dma_start3A_142 = arith.constant 0 : i32
      %dma_start3A_143 = tpu.memref_slice %arg2[%squeeze3A_46, %dma_start3A_142] : memref<1000001x64xf32, #tpu.memory_space<hbm>> -> memref<1x64xf32, #tpu.memory_space<hbm>>
      tpu.enqueue_dma source(%dma_start3A_143 : memref<1x64xf32, #tpu.memory_space<hbm>>) target(%dma_start3A_141 : memref<1x64xf32, #tpu.memory_space<hbm>>) target_semaphore(%arg6 : memref<!tpu.dma_semaphore, #tpu.memory_space<semaphore_mem>>)
      %dma_start3A_144 = arith.constant 0 : i32
      %dma_start3A_145 = tpu.memref_slice %arg4[%add3A_54, %dma_start3A_144] : memref<16384x64xf32, #tpu.memory_space<hbm>> -> memref<1x64xf32, #tpu.memory_space<hbm>>
      %dma_start3A_146 = arith.constant 0 : i32
      %dma_start3A_147 = tpu.memref_slice %arg2[%squeeze3A_53, %dma_start3A_146] : memref<1000001x64xf32, #tpu.memory_space<hbm>> -> memref<1x64xf32, #tpu.memory_space<hbm>>
      tpu.enqueue_dma source(%dma_start3A_147 : memref<1x64xf32, #tpu.memory_space<hbm>>) target(%dma_start3A_145 : memref<1x64xf32, #tpu.memory_space<hbm>>) target_semaphore(%arg6 : memref<!tpu.dma_semaphore, #tpu.memory_space<semaphore_mem>>)
      %dma_start3A_148 = arith.constant 0 : i32
      %dma_start3A_149 = tpu.memref_slice %arg4[%add3A_61, %dma_start3A_148] : memref<16384x64xf32, #tpu.memory_space<hbm>> -> memref<1x64xf32, #tpu.memory_space<hbm>>
      %dma_start3A_150 = arith.constant 0 : i32
      %dma_start3A_151 = tpu.memref_slice %arg2[%squeeze3A_60, %dma_start3A_150] : memref<1000001x64xf32, #tpu.memory_space<hbm>> -> memref<1x64xf32, #tpu.memory_space<hbm>>
      tpu.enqueue_dma source(%dma_start3A_151 : memref<1x64xf32, #tpu.memory_space<hbm>>) target(%dma_start3A_149 : memref<1x64xf32, #tpu.memory_space<hbm>>) target_semaphore(%arg6 : memref<!tpu.dma_semaphore, #tpu.memory_space<semaphore_mem>>)
      %dma_start3A_152 = arith.constant 0 : i32
      %dma_start3A_153 = tpu.memref_slice %arg4[%add3A_68, %dma_start3A_152] : memref<16384x64xf32, #tpu.memory_space<hbm>> -> memref<1x64xf32, #tpu.memory_space<hbm>>
      %dma_start3A_154 = arith.constant 0 : i32
      %dma_start3A_155 = tpu.memref_slice %arg2[%squeeze3A_67, %dma_start3A_154] : memref<1000001x64xf32, #tpu.memory_space<hbm>> -> memref<1x64xf32, #tpu.memory_space<hbm>>
      tpu.enqueue_dma source(%dma_start3A_155 : memref<1x64xf32, #tpu.memory_space<hbm>>) target(%dma_start3A_153 : memref<1x64xf32, #tpu.memory_space<hbm>>) target_semaphore(%arg6 : memref<!tpu.dma_semaphore, #tpu.memory_space<semaphore_mem>>)
      %dma_start3A_156 = arith.constant 0 : i32
      %dma_start3A_157 = tpu.memref_slice %arg4[%add3A_75, %dma_start3A_156] : memref<16384x64xf32, #tpu.memory_space<hbm>> -> memref<1x64xf32, #tpu.memory_space<hbm>>
      %dma_start3A_158 = arith.constant 0 : i32
      %dma_start3A_159 = tpu.memref_slice %arg2[%squeeze3A_74, %dma_start3A_158] : memref<1000001x64xf32, #tpu.memory_space<hbm>> -> memref<1x64xf32, #tpu.memory_space<hbm>>
      tpu.enqueue_dma source(%dma_start3A_159 : memref<1x64xf32, #tpu.memory_space<hbm>>) target(%dma_start3A_157 : memref<1x64xf32, #tpu.memory_space<hbm>>) target_semaphore(%arg6 : memref<!tpu.dma_semaphore, #tpu.memory_space<semaphore_mem>>)
      %dma_start3A_160 = arith.constant 0 : i32
      %dma_start3A_161 = tpu.memref_slice %arg4[%add3A_82, %dma_start3A_160] : memref<16384x64xf32, #tpu.memory_space<hbm>> -> memref<1x64xf32, #tpu.memory_space<hbm>>
      %dma_start3A_162 = arith.constant 0 : i32
      %dma_start3A_163 = tpu.memref_slice %arg2[%squeeze3A_81, %dma_start3A_162] : memref<1000001x64xf32, #tpu.memory_space<hbm>> -> memref<1x64xf32, #tpu.memory_space<hbm>>
      tpu.enqueue_dma source(%dma_start3A_163 : memref<1x64xf32, #tpu.memory_space<hbm>>) target(%dma_start3A_161 : memref<1x64xf32, #tpu.memory_space<hbm>>) target_semaphore(%arg6 : memref<!tpu.dma_semaphore, #tpu.memory_space<semaphore_mem>>)
      %dma_start3A_164 = arith.constant 0 : i32
      %dma_start3A_165 = tpu.memref_slice %arg4[%add3A_89, %dma_start3A_164] : memref<16384x64xf32, #tpu.memory_space<hbm>> -> memref<1x64xf32, #tpu.memory_space<hbm>>
      %dma_start3A_166 = arith.constant 0 : i32
      %dma_start3A_167 = tpu.memref_slice %arg2[%squeeze3A_88, %dma_start3A_166] : memref<1000001x64xf32, #tpu.memory_space<hbm>> -> memref<1x64xf32, #tpu.memory_space<hbm>>
      tpu.enqueue_dma source(%dma_start3A_167 : memref<1x64xf32, #tpu.memory_space<hbm>>) target(%dma_start3A_165 : memref<1x64xf32, #tpu.memory_space<hbm>>) target_semaphore(%arg6 : memref<!tpu.dma_semaphore, #tpu.memory_space<semaphore_mem>>)
      %dma_start3A_168 = arith.constant 0 : i32
      %dma_start3A_169 = tpu.memref_slice %arg4[%add3A_96, %dma_start3A_168] : memref<16384x64xf32, #tpu.memory_space<hbm>> -> memref<1x64xf32, #tpu.memory_space<hbm>>
      %dma_start3A_170 = arith.constant 0 : i32
      %dma_start3A_171 = tpu.memref_slice %arg2[%squeeze3A_95, %dma_start3A_170] : memref<1000001x64xf32, #tpu.memory_space<hbm>> -> memref<1x64xf32, #tpu.memory_space<hbm>>
      tpu.enqueue_dma source(%dma_start3A_171 : memref<1x64xf32, #tpu.memory_space<hbm>>) target(%dma_start3A_169 : memref<1x64xf32, #tpu.memory_space<hbm>>) target_semaphore(%arg6 : memref<!tpu.dma_semaphore, #tpu.memory_space<semaphore_mem>>)
      %dma_start3A_172 = arith.constant 0 : i32
      %dma_start3A_173 = tpu.memref_slice %arg4[%add3A_103, %dma_start3A_172] : memref<16384x64xf32, #tpu.memory_space<hbm>> -> memref<1x64xf32, #tpu.memory_space<hbm>>
      %dma_start3A_174 = arith.constant 0 : i32
      %dma_start3A_175 = tpu.memref_slice %arg2[%squeeze3A_102, %dma_start3A_174] : memref<1000001x64xf32, #tpu.memory_space<hbm>> -> memref<1x64xf32, #tpu.memory_space<hbm>>
      tpu.enqueue_dma source(%dma_start3A_175 : memref<1x64xf32, #tpu.memory_space<hbm>>) target(%dma_start3A_173 : memref<1x64xf32, #tpu.memory_space<hbm>>) target_semaphore(%arg6 : memref<!tpu.dma_semaphore, #tpu.memory_space<semaphore_mem>>)
      %dma_start3A_176 = arith.constant 0 : i32
      %dma_start3A_177 = tpu.memref_slice %arg4[%add3A_110, %dma_start3A_176] : memref<16384x64xf32, #tpu.memory_space<hbm>> -> memref<1x64xf32, #tpu.memory_space<hbm>>
      %dma_start3A_178 = arith.constant 0 : i32
      %dma_start3A_179 = tpu.memref_slice %arg2[%squeeze3A_109, %dma_start3A_178] : memref<1000001x64xf32, #tpu.memory_space<hbm>> -> memref<1x64xf32, #tpu.memory_space<hbm>>
      tpu.enqueue_dma source(%dma_start3A_179 : memref<1x64xf32, #tpu.memory_space<hbm>>) target(%dma_start3A_177 : memref<1x64xf32, #tpu.memory_space<hbm>>) target_semaphore(%arg6 : memref<!tpu.dma_semaphore, #tpu.memory_space<semaphore_mem>>)
      %dma_start3A_180 = arith.constant 0 : i32
      %dma_start3A_181 = tpu.memref_slice %arg4[%add3A_117, %dma_start3A_180] : memref<16384x64xf32, #tpu.memory_space<hbm>> -> memref<1x64xf32, #tpu.memory_space<hbm>>
      %dma_start3A_182 = arith.constant 0 : i32
      %dma_start3A_183 = tpu.memref_slice %arg2[%squeeze3A_116, %dma_start3A_182] : memref<1000001x64xf32, #tpu.memory_space<hbm>> -> memref<1x64xf32, #tpu.memory_space<hbm>>
      tpu.enqueue_dma source(%dma_start3A_183 : memref<1x64xf32, #tpu.memory_space<hbm>>) target(%dma_start3A_181 : memref<1x64xf32, #tpu.memory_space<hbm>>) target_semaphore(%arg6 : memref<!tpu.dma_semaphore, #tpu.memory_space<semaphore_mem>>)
      %dma_start3A_184 = arith.constant 0 : i32
      %dma_start3A_185 = tpu.memref_slice %arg4[%add3A_124, %dma_start3A_184] : memref<16384x64xf32, #tpu.memory_space<hbm>> -> memref<1x64xf32, #tpu.memory_space<hbm>>
      %dma_start3A_186 = arith.constant 0 : i32
      %dma_start3A_187 = tpu.memref_slice %arg2[%squeeze3A_123, %dma_start3A_186] : memref<1000001x64xf32, #tpu.memory_space<hbm>> -> memref<1x64xf32, #tpu.memory_space<hbm>>
      tpu.enqueue_dma source(%dma_start3A_187 : memref<1x64xf32, #tpu.memory_space<hbm>>) target(%dma_start3A_185 : memref<1x64xf32, #tpu.memory_space<hbm>>) target_semaphore(%arg6 : memref<!tpu.dma_semaphore, #tpu.memory_space<semaphore_mem>>)
      %dma_wait3A = arith.constant 0 : i32
      %dma_wait3A_188 = tpu.memref_slice %arg4[%add3A_19, %dma_wait3A] : memref<16384x64xf32, #tpu.memory_space<hbm>> -> memref<1x64xf32, #tpu.memory_space<hbm>>
      %dma_wait3A_189 = arith.constant 0 : i32
      %dma_wait3A_190 = tpu.memref_slice %arg2[%squeeze3A, %dma_wait3A_189] : memref<1000001x64xf32, #tpu.memory_space<hbm>> -> memref<1x64xf32, #tpu.memory_space<hbm>>
      tpu.wait_dma2 semaphore(%arg6 : memref<!tpu.dma_semaphore, #tpu.memory_space<semaphore_mem>>) src(%dma_wait3A_190 : memref<1x64xf32, #tpu.memory_space<hbm>>) dst(%dma_wait3A_188 : memref<1x64xf32, #tpu.memory_space<hbm>>)
      %dma_wait3A_191 = arith.constant 0 : i32
      %dma_wait3A_192 = tpu.memref_slice %arg4[%add3A_26, %dma_wait3A_191] : memref<16384x64xf32, #tpu.memory_space<hbm>> -> memref<1x64xf32, #tpu.memory_space<hbm>>
      %dma_wait3A_193 = arith.constant 0 : i32
      %dma_wait3A_194 = tpu.memref_slice %arg2[%squeeze3A_25, %dma_wait3A_193] : memref<1000001x64xf32, #tpu.memory_space<hbm>> -> memref<1x64xf32, #tpu.memory_space<hbm>>
      tpu.wait_dma2 semaphore(%arg6 : memref<!tpu.dma_semaphore, #tpu.memory_space<semaphore_mem>>) src(%dma_wait3A_194 : memref<1x64xf32, #tpu.memory_space<hbm>>) dst(%dma_wait3A_192 : memref<1x64xf32, #tpu.memory_space<hbm>>)
      %dma_wait3A_195 = arith.constant 0 : i32
      %dma_wait3A_196 = tpu.memref_slice %arg4[%add3A_33, %dma_wait3A_195] : memref<16384x64xf32, #tpu.memory_space<hbm>> -> memref<1x64xf32, #tpu.memory_space<hbm>>
      %dma_wait3A_197 = arith.constant 0 : i32
      %dma_wait3A_198 = tpu.memref_slice %arg2[%squeeze3A_32, %dma_wait3A_197] : memref<1000001x64xf32, #tpu.memory_space<hbm>> -> memref<1x64xf32, #tpu.memory_space<hbm>>
      tpu.wait_dma2 semaphore(%arg6 : memref<!tpu.dma_semaphore, #tpu.memory_space<semaphore_mem>>) src(%dma_wait3A_198 : memref<1x64xf32, #tpu.memory_space<hbm>>) dst(%dma_wait3A_196 : memref<1x64xf32, #tpu.memory_space<hbm>>)
      %dma_wait3A_199 = arith.constant 0 : i32
      %dma_wait3A_200 = tpu.memref_slice %arg4[%add3A_40, %dma_wait3A_199] : memref<16384x64xf32, #tpu.memory_space<hbm>> -> memref<1x64xf32, #tpu.memory_space<hbm>>
      %dma_wait3A_201 = arith.constant 0 : i32
      %dma_wait3A_202 = tpu.memref_slice %arg2[%squeeze3A_39, %dma_wait3A_201] : memref<1000001x64xf32, #tpu.memory_space<hbm>> -> memref<1x64xf32, #tpu.memory_space<hbm>>
      tpu.wait_dma2 semaphore(%arg6 : memref<!tpu.dma_semaphore, #tpu.memory_space<semaphore_mem>>) src(%dma_wait3A_202 : memref<1x64xf32, #tpu.memory_space<hbm>>) dst(%dma_wait3A_200 : memref<1x64xf32, #tpu.memory_space<hbm>>)
      %dma_wait3A_203 = arith.constant 0 : i32
      %dma_wait3A_204 = tpu.memref_slice %arg4[%add3A_47, %dma_wait3A_203] : memref<16384x64xf32, #tpu.memory_space<hbm>> -> memref<1x64xf32, #tpu.memory_space<hbm>>
      %dma_wait3A_205 = arith.constant 0 : i32
      %dma_wait3A_206 = tpu.memref_slice %arg2[%squeeze3A_46, %dma_wait3A_205] : memref<1000001x64xf32, #tpu.memory_space<hbm>> -> memref<1x64xf32, #tpu.memory_space<hbm>>
      tpu.wait_dma2 semaphore(%arg6 : memref<!tpu.dma_semaphore, #tpu.memory_space<semaphore_mem>>) src(%dma_wait3A_206 : memref<1x64xf32, #tpu.memory_space<hbm>>) dst(%dma_wait3A_204 : memref<1x64xf32, #tpu.memory_space<hbm>>)
      %dma_wait3A_207 = arith.constant 0 : i32
      %dma_wait3A_208 = tpu.memref_slice %arg4[%add3A_54, %dma_wait3A_207] : memref<16384x64xf32, #tpu.memory_space<hbm>> -> memref<1x64xf32, #tpu.memory_space<hbm>>
      %dma_wait3A_209 = arith.constant 0 : i32
      %dma_wait3A_210 = tpu.memref_slice %arg2[%squeeze3A_53, %dma_wait3A_209] : memref<1000001x64xf32, #tpu.memory_space<hbm>> -> memref<1x64xf32, #tpu.memory_space<hbm>>
      tpu.wait_dma2 semaphore(%arg6 : memref<!tpu.dma_semaphore, #tpu.memory_space<semaphore_mem>>) src(%dma_wait3A_210 : memref<1x64xf32, #tpu.memory_space<hbm>>) dst(%dma_wait3A_208 : memref<1x64xf32, #tpu.memory_space<hbm>>)
      %dma_wait3A_211 = arith.constant 0 : i32
      %dma_wait3A_212 = tpu.memref_slice %arg4[%add3A_61, %dma_wait3A_211] : memref<16384x64xf32, #tpu.memory_space<hbm>> -> memref<1x64xf32, #tpu.memory_space<hbm>>
      %dma_wait3A_213 = arith.constant 0 : i32
      %dma_wait3A_214 = tpu.memref_slice %arg2[%squeeze3A_60, %dma_wait3A_213] : memref<1000001x64xf32, #tpu.memory_space<hbm>> -> memref<1x64xf32, #tpu.memory_space<hbm>>
      tpu.wait_dma2 semaphore(%arg6 : memref<!tpu.dma_semaphore, #tpu.memory_space<semaphore_mem>>) src(%dma_wait3A_214 : memref<1x64xf32, #tpu.memory_space<hbm>>) dst(%dma_wait3A_212 : memref<1x64xf32, #tpu.memory_space<hbm>>)
      %dma_wait3A_215 = arith.constant 0 : i32
      %dma_wait3A_216 = tpu.memref_slice %arg4[%add3A_68, %dma_wait3A_215] : memref<16384x64xf32, #tpu.memory_space<hbm>> -> memref<1x64xf32, #tpu.memory_space<hbm>>
      %dma_wait3A_217 = arith.constant 0 : i32
      %dma_wait3A_218 = tpu.memref_slice %arg2[%squeeze3A_67, %dma_wait3A_217] : memref<1000001x64xf32, #tpu.memory_space<hbm>> -> memref<1x64xf32, #tpu.memory_space<hbm>>
      tpu.wait_dma2 semaphore(%arg6 : memref<!tpu.dma_semaphore, #tpu.memory_space<semaphore_mem>>) src(%dma_wait3A_218 : memref<1x64xf32, #tpu.memory_space<hbm>>) dst(%dma_wait3A_216 : memref<1x64xf32, #tpu.memory_space<hbm>>)
      %dma_wait3A_219 = arith.constant 0 : i32
      %dma_wait3A_220 = tpu.memref_slice %arg4[%add3A_75, %dma_wait3A_219] : memref<16384x64xf32, #tpu.memory_space<hbm>> -> memref<1x64xf32, #tpu.memory_space<hbm>>
      %dma_wait3A_221 = arith.constant 0 : i32
      %dma_wait3A_222 = tpu.memref_slice %arg2[%squeeze3A_74, %dma_wait3A_221] : memref<1000001x64xf32, #tpu.memory_space<hbm>> -> memref<1x64xf32, #tpu.memory_space<hbm>>
      tpu.wait_dma2 semaphore(%arg6 : memref<!tpu.dma_semaphore, #tpu.memory_space<semaphore_mem>>) src(%dma_wait3A_222 : memref<1x64xf32, #tpu.memory_space<hbm>>) dst(%dma_wait3A_220 : memref<1x64xf32, #tpu.memory_space<hbm>>)
      %dma_wait3A_223 = arith.constant 0 : i32
      %dma_wait3A_224 = tpu.memref_slice %arg4[%add3A_82, %dma_wait3A_223] : memref<16384x64xf32, #tpu.memory_space<hbm>> -> memref<1x64xf32, #tpu.memory_space<hbm>>
      %dma_wait3A_225 = arith.constant 0 : i32
      %dma_wait3A_226 = tpu.memref_slice %arg2[%squeeze3A_81, %dma_wait3A_225] : memref<1000001x64xf32, #tpu.memory_space<hbm>> -> memref<1x64xf32, #tpu.memory_space<hbm>>
      tpu.wait_dma2 semaphore(%arg6 : memref<!tpu.dma_semaphore, #tpu.memory_space<semaphore_mem>>) src(%dma_wait3A_226 : memref<1x64xf32, #tpu.memory_space<hbm>>) dst(%dma_wait3A_224 : memref<1x64xf32, #tpu.memory_space<hbm>>)
      %dma_wait3A_227 = arith.constant 0 : i32
      %dma_wait3A_228 = tpu.memref_slice %arg4[%add3A_89, %dma_wait3A_227] : memref<16384x64xf32, #tpu.memory_space<hbm>> -> memref<1x64xf32, #tpu.memory_space<hbm>>
      %dma_wait3A_229 = arith.constant 0 : i32
      %dma_wait3A_230 = tpu.memref_slice %arg2[%squeeze3A_88, %dma_wait3A_229] : memref<1000001x64xf32, #tpu.memory_space<hbm>> -> memref<1x64xf32, #tpu.memory_space<hbm>>
      tpu.wait_dma2 semaphore(%arg6 : memref<!tpu.dma_semaphore, #tpu.memory_space<semaphore_mem>>) src(%dma_wait3A_230 : memref<1x64xf32, #tpu.memory_space<hbm>>) dst(%dma_wait3A_228 : memref<1x64xf32, #tpu.memory_space<hbm>>)
      %dma_wait3A_231 = arith.constant 0 : i32
      %dma_wait3A_232 = tpu.memref_slice %arg4[%add3A_96, %dma_wait3A_231] : memref<16384x64xf32, #tpu.memory_space<hbm>> -> memref<1x64xf32, #tpu.memory_space<hbm>>
      %dma_wait3A_233 = arith.constant 0 : i32
      %dma_wait3A_234 = tpu.memref_slice %arg2[%squeeze3A_95, %dma_wait3A_233] : memref<1000001x64xf32, #tpu.memory_space<hbm>> -> memref<1x64xf32, #tpu.memory_space<hbm>>
      tpu.wait_dma2 semaphore(%arg6 : memref<!tpu.dma_semaphore, #tpu.memory_space<semaphore_mem>>) src(%dma_wait3A_234 : memref<1x64xf32, #tpu.memory_space<hbm>>) dst(%dma_wait3A_232 : memref<1x64xf32, #tpu.memory_space<hbm>>)
      %dma_wait3A_235 = arith.constant 0 : i32
      %dma_wait3A_236 = tpu.memref_slice %arg4[%add3A_103, %dma_wait3A_235] : memref<16384x64xf32, #tpu.memory_space<hbm>> -> memref<1x64xf32, #tpu.memory_space<hbm>>
      %dma_wait3A_237 = arith.constant 0 : i32
      %dma_wait3A_238 = tpu.memref_slice %arg2[%squeeze3A_102, %dma_wait3A_237] : memref<1000001x64xf32, #tpu.memory_space<hbm>> -> memref<1x64xf32, #tpu.memory_space<hbm>>
      tpu.wait_dma2 semaphore(%arg6 : memref<!tpu.dma_semaphore, #tpu.memory_space<semaphore_mem>>) src(%dma_wait3A_238 : memref<1x64xf32, #tpu.memory_space<hbm>>) dst(%dma_wait3A_236 : memref<1x64xf32, #tpu.memory_space<hbm>>)
      %dma_wait3A_239 = arith.constant 0 : i32
      %dma_wait3A_240 = tpu.memref_slice %arg4[%add3A_110, %dma_wait3A_239] : memref<16384x64xf32, #tpu.memory_space<hbm>> -> memref<1x64xf32, #tpu.memory_space<hbm>>
      %dma_wait3A_241 = arith.constant 0 : i32
      %dma_wait3A_242 = tpu.memref_slice %arg2[%squeeze3A_109, %dma_wait3A_241] : memref<1000001x64xf32, #tpu.memory_space<hbm>> -> memref<1x64xf32, #tpu.memory_space<hbm>>
      tpu.wait_dma2 semaphore(%arg6 : memref<!tpu.dma_semaphore, #tpu.memory_space<semaphore_mem>>) src(%dma_wait3A_242 : memref<1x64xf32, #tpu.memory_space<hbm>>) dst(%dma_wait3A_240 : memref<1x64xf32, #tpu.memory_space<hbm>>)
      %dma_wait3A_243 = arith.constant 0 : i32
      %dma_wait3A_244 = tpu.memref_slice %arg4[%add3A_117, %dma_wait3A_243] : memref<16384x64xf32, #tpu.memory_space<hbm>> -> memref<1x64xf32, #tpu.memory_space<hbm>>
      %dma_wait3A_245 = arith.constant 0 : i32
      %dma_wait3A_246 = tpu.memref_slice %arg2[%squeeze3A_116, %dma_wait3A_245] : memref<1000001x64xf32, #tpu.memory_space<hbm>> -> memref<1x64xf32, #tpu.memory_space<hbm>>
      tpu.wait_dma2 semaphore(%arg6 : memref<!tpu.dma_semaphore, #tpu.memory_space<semaphore_mem>>) src(%dma_wait3A_246 : memref<1x64xf32, #tpu.memory_space<hbm>>) dst(%dma_wait3A_244 : memref<1x64xf32, #tpu.memory_space<hbm>>)
      %dma_wait3A_247 = arith.constant 0 : i32
      %dma_wait3A_248 = tpu.memref_slice %arg4[%add3A_124, %dma_wait3A_247] : memref<16384x64xf32, #tpu.memory_space<hbm>> -> memref<1x64xf32, #tpu.memory_space<hbm>>
      %dma_wait3A_249 = arith.constant 0 : i32
      %dma_wait3A_250 = tpu.memref_slice %arg2[%squeeze3A_123, %dma_wait3A_249] : memref<1000001x64xf32, #tpu.memory_space<hbm>> -> memref<1x64xf32, #tpu.memory_space<hbm>>
      tpu.wait_dma2 semaphore(%arg6 : memref<!tpu.dma_semaphore, #tpu.memory_space<semaphore_mem>>) src(%dma_wait3A_250 : memref<1x64xf32, #tpu.memory_space<hbm>>) dst(%dma_wait3A_248 : memref<1x64xf32, #tpu.memory_space<hbm>>)
      %scan3A_251 = arith.constant 0 : i32
      scf.yield %scan3A_251 : i32
    }
    %scan3A_8 = arith.constant 32 : i32
    return
  }
}

module attributes {stable_mosaic.version = 14 : i64} {
  func.func @_tc_body(%arg0: i32, %arg1: memref<2048x64xf32, #tpu.memory_space<vmem>>, %arg2: memref<64x128xf32, #tpu.memory_space<vmem>>, %arg3: memref<1x128xf32, #tpu.memory_space<vmem>>, %arg4: memref<1x1x2048xi32, #tpu.memory_space<vmem>>, %arg5: memref<1x1xf32, #tpu.memory_space<vmem>>) attributes {dimension_semantics = [#tpu.dimension_semantics<arbitrary>], iteration_bounds = array<i64: 8>, scalar_prefetch = 0 : i64, scratch_operands = 0 : i64, tpu.core_type = #tpu.core_type<tc>, window_params = [{transform_indices = @transform_0, window_bounds = array<i64: 2048, 64>}, {pipeline_mode = #tpu.pipeline_mode<synchronous>, transform_indices = @transform_1, window_bounds = array<i64: 64, 128>}, {pipeline_mode = #tpu.pipeline_mode<synchronous>, transform_indices = @transform_2, window_bounds = array<i64: 1, 128>}, {transform_indices = @transform_3, window_bounds = array<i64: 1, 1, 2048>}, {pipeline_mode = #tpu.pipeline_mode<synchronous>, transform_indices = @transform_4, window_bounds = array<i64: 1, 1>}]} {
    %get3A = arith.constant 0 : index
    %get3A_0 = arith.constant 0 : index
    %get3A_1 = vector.load %arg1[%get3A, %get3A_0] : memref<2048x64xf32, #tpu.memory_space<vmem>>, vector<2048x64xf32>
    %get3A_2 = arith.constant 0 : index
    %get3A_3 = arith.constant 0 : index
    %get3A_4 = vector.load %arg2[%get3A_2, %get3A_3] : memref<64x128xf32, #tpu.memory_space<vmem>>, vector<64x128xf32>
    %get3A_5 = arith.constant 0 : index
    %get3A_6 = arith.constant 0 : index
    %get3A_7 = vector.load %arg3[%get3A_5, %get3A_6] : memref<1x128xf32, #tpu.memory_space<vmem>>, vector<1x128xf32>
    %get3A_8 = arith.constant 0 : index
    %get3A_9 = arith.constant 0 : index
    %get3A_10 = arith.constant 0 : index
    %get3A_11 = vector.load %arg4[%get3A_8, %get3A_9, %get3A_10] : memref<1x1x2048xi32, #tpu.memory_space<vmem>>, vector<1x1x2048xi32>
    %get3A_12 = vector.shape_cast %get3A_11 : vector<1x1x2048xi32> to vector<2048xi32>
    %dot_general3A = arith.constant dense<0.000000e+00> : vector<2048x128xf32>
    %dot_general3A_13 = tpu.matmul %get3A_1, %get3A_4, %dot_general3A {dimension_numbers = #tpu.dot_dimension_numbers<[1], [0], [0], [1], [0, 0, 1, 1], [], []>, transpose_lhs_hint = false} : vector<2048x64xf32>, vector<64x128xf32>, vector<2048x128xf32> -> vector<2048x128xf32>
    %add3A = vector.broadcast %get3A_7 : vector<1x128xf32> to vector<2048x128xf32>
    %add3A_14 = arith.addf %dot_general3A_13, %add3A : vector<2048x128xf32>
    %reduce_max3A = arith.constant dense<0xFF800000> : vector<2048xf32>
    %reduce_max3A_15 = vector.multi_reduction <maximumf>, %add3A_14, %reduce_max3A [1] : vector<2048x128xf32> to vector<2048xf32>
    %broadcast_in_dim3A = vector.shape_cast %reduce_max3A_15 : vector<2048xf32> to vector<2048x1xf32>
    %sub3A = vector.broadcast %broadcast_in_dim3A : vector<2048x1xf32> to vector<2048x128xf32>
    %sub3A_16 = arith.subf %add3A_14, %sub3A : vector<2048x128xf32>
    %exp3A = math.exp %sub3A_16 : vector<2048x128xf32>
    %reduce_sum3A = arith.constant dense<0.000000e+00> : vector<2048xf32>
    %reduce_sum3A_17 = vector.multi_reduction <add>, %exp3A, %reduce_sum3A [1] : vector<2048x128xf32> to vector<2048xf32>
    %broadcast_in_dim3A_18 = vector.shape_cast %reduce_sum3A_17 : vector<2048xf32> to vector<2048x1xf32>
    %log3A = math.log %broadcast_in_dim3A_18 : vector<2048x1xf32>
    %add3A_19 = arith.addf %log3A, %broadcast_in_dim3A : vector<2048x1xf32>
    %iota3A = tpu.iota {dimensions = array<i32: 1>} : vector<2048x128xi32>
    %broadcast_in_dim3A_20 = vector.shape_cast %get3A_12 : vector<2048xi32> to vector<2048x1xi32>
    %eq3A = vector.broadcast %broadcast_in_dim3A_20 : vector<2048x1xi32> to vector<2048x128xi32>
    %eq3A_21 = arith.cmpi eq, %iota3A, %eq3A : vector<2048x128xi32>
    %jit3A = arith.constant 0.000000e+00 : f32
    %broadcast_in_dim3A_22 = vector.broadcast %jit3A : f32 to vector<2048x128xf32>
    %select_n3A = arith.select %eq3A_21, %add3A_14, %broadcast_in_dim3A_22 : vector<2048x128xi1>, vector<2048x128xf32>
    %reduce_sum3A_23 = arith.constant dense<0.000000e+00> : vector<2048xf32>
    %reduce_sum3A_24 = vector.multi_reduction <add>, %select_n3A, %reduce_sum3A_23 [1] : vector<2048x128xf32> to vector<2048xf32>
    %broadcast_in_dim3A_25 = vector.shape_cast %reduce_sum3A_24 : vector<2048xf32> to vector<2048x1xf32>
    %sub3A_26 = arith.subf %add3A_19, %broadcast_in_dim3A_25 : vector<2048x1xf32>
    %reduce_sum3A_27 = arith.constant dense<0.000000e+00> : vector<1xf32>
    %reduce_sum3A_28 = vector.multi_reduction <add>, %sub3A_26, %reduce_sum3A_27 [0] : vector<2048x1xf32> to vector<1xf32>
    %broadcast_in_dim3A_29 = vector.shape_cast %reduce_sum3A_28 : vector<1xf32> to vector<1x1xf32>
    %mul3A = arith.constant 6.10351563E-5 : f32
    %mul3A_30 = vector.broadcast %mul3A : f32 to vector<1x1xf32>
    %mul3A_31 = arith.mulf %broadcast_in_dim3A_29, %mul3A_30 : vector<1x1xf32>
    %eq3A_32 = arith.constant 0 : i32
    %eq3A_33 = arith.cmpi eq, %arg0, %eq3A_32 : i32
    %convert_element_type3A = arith.extui %eq3A_33 : i1 to i32
    %cond3A = arith.constant 0 : i32
    %cond3A_34 = arith.cmpi ne, %convert_element_type3A, %cond3A : i32
    scf.if %cond3A_34 {
      %swap3A = arith.constant 0 : index
      %swap3A_39 = arith.constant 0 : index
      %swap3A_40 = vector.load %arg5[%swap3A, %swap3A_39] : memref<1x1xf32, #tpu.memory_space<vmem>>, vector<1x1xf32>
      tpu.vector_store %arg5[%swap3A, %swap3A_39], %mul3A_31 {strides = array<i32>} : memref<1x1xf32, #tpu.memory_space<vmem>>, vector<1x1xf32>,
    } else {
    }
    %gt3A = arith.constant 0 : i32
    %gt3A_35 = arith.cmpi sgt, %arg0, %gt3A : i32
    %convert_element_type3A_36 = arith.extui %gt3A_35 : i1 to i32
    %cond3A_37 = arith.constant 0 : i32
    %cond3A_38 = arith.cmpi ne, %convert_element_type3A_36, %cond3A_37 : i32
    scf.if %cond3A_38 {
      %get3A_39 = arith.constant 0 : index
      %get3A_40 = arith.constant 0 : index
      %get3A_41 = vector.load %arg5[%get3A_39, %get3A_40] : memref<1x1xf32, #tpu.memory_space<vmem>>, vector<1x1xf32>
      %add3A_42 = arith.addf %get3A_41, %mul3A_31 : vector<1x1xf32>
      %swap3A = arith.constant 0 : index
      %swap3A_43 = arith.constant 0 : index
      %swap3A_44 = vector.load %arg5[%swap3A, %swap3A_43] : memref<1x1xf32, #tpu.memory_space<vmem>>, vector<1x1xf32>
      tpu.vector_store %arg5[%swap3A, %swap3A_43], %add3A_42 {strides = array<i32>} : memref<1x1xf32, #tpu.memory_space<vmem>>, vector<1x1xf32>,
    } else {
    }
    return
  }
  func.func @transform_0(%arg0: i32) -> (i32, i32) {
    %c0_i32 = arith.constant 0 : i32
    %c0_i32_0 = arith.constant 0 : i32
    return %arg0, %c0_i32 : i32, i32
  }
  func.func @transform_1(%arg0: i32) -> (i32, i32) {
    %c0_i32 = arith.constant 0 : i32
    %c0_i32_0 = arith.constant 0 : i32
    %c0_i32_1 = arith.constant 0 : i32
    return %c0_i32, %c0_i32_0 : i32, i32
  }
  func.func @transform_2(%arg0: i32) -> (i32, i32) {
    %c0_i32 = arith.constant 0 : i32
    %c0_i32_0 = arith.constant 0 : i32
    %c0_i32_1 = arith.constant 0 : i32
    return %c0_i32, %c0_i32_0 : i32, i32
  }
  func.func @transform_3(%arg0: i32) -> (i32, i32, i32) {
    %c0_i32 = arith.constant 0 : i32
    %c0_i32_0 = arith.constant 0 : i32
    %c0_i32_1 = arith.constant 0 : i32
    return %arg0, %c0_i32, %c0_i32_0 : i32, i32, i32
  }
  func.func @transform_4(%arg0: i32) -> (i32, i32) {
    %c0_i32 = arith.constant 0 : i32
    %c0_i32_0 = arith.constant 0 : i32
    %c0_i32_1 = arith.constant 0 : i32
    return %c0_i32, %c0_i32_0 : i32, i32
  }
}

</mosaic_0001>

<sc_bundles>
// kernel: kernel.4.cloned.1.call-start
scs
__scs_entry_jumppad:
0x0: {  	(pc) =	sbr.rel $0x88, $3  }
0x1: {  	(tag) =	ssettag $0x0;
	lr =	simm.s32 $0x1  }
0x2: {  	[smem:$0x3F9C] =	sst lr;
	_ =	strace $0xD0000000  }
0x3: {  	_ = 	snop  }
0x4: {  	_ = 	snop  }
0x5: {  	_ = 	snop  }
0x6: {  	_ = 	snop  }
0x7: {  	_ = 	snop  }
__scs_overlays_trampoline_lowered:
0x8: {  	[smem:$0x3FAB] =	sst s0  }
0x9: {  	[smem:$0x3FAC] =	sst s1  }
0xa: {  	[smem:$0x3FAD] =	sst s2  }
0xb: {  	[smem:$0x3FAE] =	sst s3  }
0xc: {  	[smem:$0x3FAF] =	sst s4  }
0xd: {  	[smem:$0x3FB0] =	sst s5  }
0xe: {  	[smem:$0x3FB1] =	sst s6  }
0xf: {  	[smem:$0x3FB2] =	sst s7  }
0x10: {  	[smem:$0x3FB3] =	sst s8  }
0x11: {  	[smem:$0x3FB4] =	sst s9;
	s0 =	simm.s32 @!p0 $0x0  }
0x12: {  	s1 =	sld [smem:$0x3F9A];
	s0 =	simm.s32 @p0 $0x1  }
0x13: {  	[smem:$0x3FB5] =	sst s0;
	s0 =	simm.s32 @!p1 $0x0  }
0x14: {  	s2 =	sld [smem:$0x3F99];
	s0 =	simm.s32 @p1 $0x1  }
0x15: {  	[smem:$0x3FB6] =	sst s0;
	s0 =	simm.s32 @!p2 $0x0  }
0x16: {  	s3 =	sld [smem:$0x3FDB];
	s0 =	simm.s32 @p2 $0x1  }
0x17: {  	s4 =	simm.s32 $0x1BF5;
	[smem:$0x3FB8] =	sst s0  }
0x18: {  	s0 =	sld [smem:$0x3F9B];
	_ =	swait.ge [sflag:s4], $0x0  }
0x19: {  	s7 =	sld [smem:$0x3F9C]  }
0x1a: {  	s8 =	sadd.s32 $0xFFFFE003, lr  }
0x1b: {  	s9 =	sadd.s32 $0xFFFFFEF7, lr;
	s5 =	simm.s32 $0xFFFFFFFF;
	p2 =	slt.u32 s8, $0xFFFFF086  }
0x1c: {  	p1 =	slt.u32 s9, $0xF7A;
	s5 =	simm.s32 @!p2 $0x0  }
0x1d: {  	s5 =	simm.s32 @p1 $0x1;
	p0 =	seq.s32 s7, s2  }
0x1e: {  	s7 =	smul.u32 @!p0 $0xF7A, s2;
	p2 =	seq.s32 @!p0 s5, $0x0  }
0x1f: {  	s9 =	smul.u32 $0xF7A, s1;
	s8 =	simm.s32 @!p0 $0x1BF5;
	p2 =	por !p2, p0  }
0x20: {  	[sflag:s8] =	ssyncset.s32 @!p0 $0xFFFFF086;
	s6 =	sadd.s32 @!p0 s3, s7;
	s7 =	simm.s32 @!p0 $0x108  }
0x21: {  	s3 =	sadd.s32 s3, s9;
	s6 =	sadd.s32 @!p0 $0x88, s6;
	s7 =	simm.s32 @p2 $0x1082  }
0x22: {  	[simem:s7], [sflag:s8] =	dma.local @!p0 [hbm:s6], $0xF7A  }
0x23: {  	s9 =	sor.u32 $0xD0000000, s2;
	s6 =	simm.s32 $0x108;
	_ =	swait.ge @!p0 [sflag:s8], $0x0  }
0x24: {  	s3 =	sadd.s32 $0x88, s3;
	s6 =	simm.s32 @!p1 $0x1082;
	[sflag:s4] =	ssyncset.s32 $0xFFFFF086  }
0x25: {  	[simem:s6], [sflag:s4] =	dma.local [hbm:s3], $0xF7A  }
0x26: {  	[smem:$0x3F9C] =	sst s1;
	(tag) =	ssettag s2;
	_ =	strace s9  }
0x27: {  	s1 =	sld [smem:$0x3FAC]  }
0x28: {  	s2 =	sld [smem:$0x3FAD]  }
0x29: {  	s4 =	sld [smem:$0x3FAF]  }
0x2a: {  	p0 =	seq.s32 s5, $0x0;
	s5 =	sld [smem:$0x3FB0]  }
0x2b: {  	s6 =	sld [smem:$0x3FB1]  }
0x2c: {  	s7 =	sld [smem:$0x3FB2]  }
0x2d: {  	s3 =	simm.s32 $0x108;
	s8 =	sld [smem:$0x3FB3]  }
0x2e: {  	s3 =	simm.s32 @!p0 $0x1082;
	s9 =	sld [smem:$0x3FB4]  }
0x2f: {  	lr =	sadd.s32 s0, s3;
	s0 =	sld [smem:$0x3FAB]  }
0x30: {  	s3 =	sld [smem:$0x3FAE]  }
0x31: {  	[smem:$0x3FB7] =	sst s10  }
0x32: {  	s10 =	sld [smem:$0x3FB5];
	_ =	sdelay $0x3  }
0x33: {  	p0 =	seq.s32 s10, $0x1;
	s10 =	sld [smem:$0x3FB7];
	_ =	sdelay $0x3  }
0x34: {  	[smem:$0x3FB7] =	sst s10  }
0x35: {  	s10 =	sld [smem:$0x3FB6];
	_ =	sdelay $0x3  }
0x36: {  	p1 =	seq.s32 s10, $0x1;
	s10 =	sld [smem:$0x3FB7];
	_ =	sdelay $0x3  }
0x37: {  	[smem:$0x3FB7] =	sst s10  }
0x38: {  	s10 =	sld [smem:$0x3FB8]  }
0x39: {  	_ = 	snop;
	(pc) =	sbr.ind lr, $3  }
0x3a: {  	_ = 	snop  }
0x3b: {  	_ = 	snop  }
0x3c: {  	p2 =	seq.s32 s10, $0x1;
	s10 =	sld [smem:$0x3FB7]  }
0x3d: {  	_ =	shalt  }
0x3e: {  	_ =	shalt  }
0x3f: {  	_ =	shalt  }
0x40: {  	_ =	shalt  }
0x41: {  	_ =	shalt  }
0x42: {  	_ =	shalt  }
0x43: {  	_ =	shalt  }
0x44: {  	_ =	shalt  }
0x45: {  	_ =	shalt  }
0x46: {  	_ =	shalt  }
0x47: {  	_ =	shalt  }
0x48: {  	_ =	shalt  }
0x49: {  	_ =	shalt  }
0x4a: {  	_ =	shalt  }
0x4b: {  	_ =	shalt  }
0x4c: {  	_ =	shalt  }
0x4d: {  	_ =	shalt  }
0x4e: {  	_ =	shalt  }
0x4f: {  	_ =	shalt  }
0x50: {  	_ =	shalt  }
0x51: {  	_ =	shalt  }
0x52: {  	_ =	shalt  }
0x53: {  	_ =	shalt  }
0x54: {  	_ =	shalt  }
0x55: {  	_ =	shalt  }
0x56: {  	_ =	shalt  }
0x57: {  	_ =	shalt  }
0x58: {  	_ =	shalt  }
0x59: {  	_ =	shalt  }
0x5a: {  	_ =	shalt  }
0x5b: {  	_ =	shalt  }
0x5c: {  	_ =	shalt  }
0x5d: {  	_ =	shalt  }
0x5e: {  	_ =	shalt  }
0x5f: {  	_ =	shalt  }
0x60: {  	_ =	shalt  }
0x61: {  	_ =	shalt  }
0x62: {  	_ =	shalt  }
0x63: {  	_ =	shalt  }
0x64: {  	_ =	shalt  }
0x65: {  	_ =	shalt  }
0x66: {  	_ =	shalt  }
0x67: {  	_ =	shalt  }
0x68: {  	_ =	shalt  }
0x69: {  	_ =	shalt  }
0x6a: {  	_ =	shalt  }
0x6b: {  	_ =	shalt  }
0x6c: {  	_ =	shalt  }
0x6d: {  	_ =	shalt  }
0x6e: {  	_ =	shalt  }
0x6f: {  	_ =	shalt  }
0x70: {  	_ =	shalt  }
0x71: {  	_ =	shalt  }
0x72: {  	_ =	shalt  }
0x73: {  	_ =	shalt  }
0x74: {  	_ =	shalt  }
0x75: {  	_ =	shalt  }
0x76: {  	_ =	shalt  }
0x77: {  	_ =	shalt  }
0x78: {  	_ =	shalt  }
0x79: {  	_ =	shalt  }
0x7a: {  	_ =	shalt  }
0x7b: {  	_ =	shalt  }
0x7c: {  	_ =	shalt  }
0x7d: {  	_ =	shalt  }
0x7e: {  	_ =	shalt  }
0x7f: {  	_ =	shalt  }
0x80: {  	_ =	shalt  }
0x81: {  	_ =	shalt  }
0x82: {  	_ =	shalt  }
0x83: {  	_ =	shalt  }
0x84: {  	_ =	shalt  }
0x85: {  	_ =	shalt  }
0x86: {  	_ =	shalt  }
0x87: {  	_ =	shalt  }
.Lfunc_end0:
.L_simem_size_0:
called_computation_lowered:
.L_overlay_start_0:
0x88: {  	s2 =	sld [smem:$0x3FD9]  }
0x89: {  	s3 =	sld [smem:$0x3FFE];
	_ =	sdelay $0x1  }
0x8a: {  	s1 =	srdreg.scid  }
0x8b: {  	s0 =	sand.u32 $0x1, s1  }
0x8c: {  	s17 =	sshll.u32 s0, $0xA;
	s2 =	sadd.s32 s3, s2  }
0x8d: {  	s2 =	sadd.s32 s2, s17  }
0x8e: {  	[smem:$0x3FC3] =	sst s2  }
0x8f: {  	_ = 	snop  }
0x90: {  	s2 =	sld [smem:$0x3FC9];
	(tm) =	ssettm $0x1  }
0x91: {  	s18 =	sld [smem:$0x3FFB];
	_ =	sdelay $0x3  }
0x92: {  	_ =	strace s18  }
0x93: {  	s3 =	sld [smem:$0x3FFC];
	_ =	sdelay $0x3  }
0x94: {  	_ =	strace s3  }
0x95: {  	s3 =	sld [smem:$0x3FFD];
	_ =	sdelay $0x3  }
0x96: {  	_ =	strace s3  }
0x97: {  	_ =	strace $0x8FFFFFFF  }
0x98: {  	s19 =	sld [smem:$0x3FDB];
	_ =	sdelay $0x1  }
0x99: {  	s4 =	simm.s32 $_scs_section_size  }
0x9a: {  	s5 =	simm.s32 $_size__tile_overlayer_lowered;
	s6 =	simm.s32 $_tile_overlayer_lowered  }
0x9b: {  	s22 =	simm.s32 $0x1BFF;
	s21 =	sshll.u32 s6, $0x1;
	s3 =	sadd.s32 s4, s19  }
0x9c: {  	s7 =	simm.s32 $0x0;
	s20 =	sshll.u32 s5, $0x1;
	s5 =	sadd.s32 s21, s3  }
0x9d: {  	[timem:s7], [sflag:s22] =	dma.local [hbm:s5], s20  }
0x9e: {  	_ =	swait.ge [sflag:s22], s20  }
0x9f: {  	s4 =	ssub.s32 $0x0, s20;
	[sflag:s22] =	ssyncset.done $0x0  }
0xa0: {  	[sflag:s22] =	ssyncadd.s32 s4;
	_ =	sdelay $0x1  }
0xa1: {  	s23 =	simm.s32 $0x1B8B  }
0xa2: {  	_ =	swait.ge [sflag:s23], $0x1  }
0xa3: {  	[sflag:s23] =	ssyncset.done $0x0  }
0xa4: {  	s25 =	simm.s32 $0x1B8E;
	s24 =	sld [smem:$0x3FFE];
	[sflag:s23] =	ssyncadd.s32 $0xFFFFFFFF  }
0xa5: {  	s26 =	simm.s32 $execute0_lowered;
	[smem:$0x3FD2] =	sst s25  }
0xa6: {  	s5 =	sshll.u32 s26, $0x1;
	_ =	strace $0x80000046;
	[dreg:$0x1] =	wrdreg $0xFFFFFFFF  }
0xa7: {  	s28 =	simm.s32 $_size_execute0_lowered;
	s3 =	sadd.s32 s3, s5;
	[dreg:$0x0] =	wrdreg $0x0  }
0xa8: {  	s5 =	sshll.u32 s28, $0x1;
	[dreg:$0x2] =	wrdreg s3  }
0xa9: {  	[dreg:$0x3] =	wrdreg s5  }
0xaa: {  	[dreg:$0x4] =	wrdreg $0xC0  }
0xab: {  	_ =	task [dreg:s7], $0x5FFFF  }
0xac: {  	[dreg:$0x1] =	wrdreg $0xFFFFFFFF  }
0xad: {  	[dreg:$0x0] =	wrdreg $0x60  }
0xae: {  	[dreg:$0x2] =	wrdreg s24  }
0xaf: {  	[dreg:$0x3] =	wrdreg s2  }
0xb0: {  	[dreg:$0x4] =	wrdreg $0x9  }
0xb1: {  	_ =	task.clear_ibuf [dreg:s7], $0x5FFFF;
	_ =	strace $0x90000046  }
0xb2: {  	s29 =	simm.s32 $0x9;
	_ =	strace $0x80000048  }
0xb3: {  	_ =	swait.ge [sflag:s29], $0x1  }
0xb4: {  	[sflag:s29] =	ssyncadd.s32 $0xFFFFFFFF  }
0xb5: {  	_ =	strace $0x90000048  }
0xb6: {  	_ =	sfence  }
0xb7: {  	s30 =	sld [smem:$0x0];
	_ =	sdelay $0x2  }
0xb8: {  	s31 =	sshll.u32 s1, $0xD;
	s1 =	sshrl.u32 s1, $0x2  }
0xb9: {  	s3 =	sand.u32 $0x4000, s31;
	s1 =	sadd.s32 s1, s30  }
0xba: {  	s0 =	sor.u32 s3, s0;
	s1 =	sshll.u32 s1, $0x11  }
0xbb: {  	s0 =	sor.u32 s1, s0  }
0xbc: {  	s0 =	sadd.s32 $0x8F2B, s0  }
0xbd: {  	[sflag:s0] =	ssyncadd.remote.s32 $0x1  }
0xbe: {  	_ =	sfence.sel $0xFFFF  }
0xbf: {  	[dreg:$0x0] =	wrdreg $0xFFFFFFFF;
	(pc) =	sbr.abs _section_cstart, $3  }
0xc0: {  	[dreg:$0x1] =	wrdreg $0xFFFFFFFF  }
0xc1: {  	_ =	task.clear_ibuf [dreg:s7], $0x2FFFF;
	_ =	strace $0x9FFFFFFF  }
0xc2: {  	(tm) =	ssettm $0x7FFFFFFF  }
0xc3: {  	_ =	shalt  }
tec
execute0_lowered:
.L_overlay_start_1:
0x0: {  	(tag) =	ssettag $0x1  }
0x1: {  	s4 =	rddreg [dreg:$0x0]  }
0x2: {  	s5 =	rddreg [dreg:$0x1];
	s0 =	simm.s32 $0x0;
	s26 =	stileid.u32  }
0x3: {  	s7 =	srdreg.scid;
	[smem:$0x7FF] =	sst s0  }
0x4: {  	s6 =	sshll.u32 s26, $0xE;
	s3 =	sadd.s32 $0xC00, s4;
	s28 =	sand.u32 $0x1, s7  }
0x5: {  	s8 =	sshll.u32 s26, $0xA;
	s31 =	sshll.u32 s26, $0x6;
	_ =	strace $0x80000047  }
0x6: {  	s4 =	sadd.s32 s6, s4;
	s9 =	sshll.u32 s28, $0x9;
	s6 =	sshll.u32 s28, $0xD  }
0x7: {  	s7 =	ssub.s32 $0x2, s28;
	s8 =	sor.u32 s9, s8;
	s6 =	sadd.s32 s6, s4  }
0x8: {  	s29 =	sshrl.u32 s7, $0x1;
	s8 =	sshrl.u32 s8, $0x3;
	s6 =	sadd.s32 $0xF43200, s6  }
0x9: {  	s7 =	ssub.s32 s7, s29;
	s1 =	sadd.s32 s5, s8;
	[dreg:$0x3] =	wrdreg s6  }
0xa: {  	s30 =	smax.u32 s7, $0x1;
	s7 =	sor.u32 $0x1C01, s31;
	[dreg:$0xa] =	wrdreg s1  }
0xb: {  	s8 =	simm.s32 $0x1;
	[dreg:$0xb] =	wrdreg s30;
	s1 =	simm.s32 $0x0  }
.LBB2_1:
0xc: {  	[dreg:$0xc] =	wrdreg s1  }
0xd: {  	s0 =	simm.s32 $0x0;
	s5 =	rddreg [dreg:$0xa];
	s6 =	simm.s32 $0x2  }
0xe: {  	[tilespmem:s0], [sflag:$0x2] =	stream.linear.gather [hbm4b:s5+s0], $0x200, $0x38;
	[tilespmem:$0x200] =	vst v63  }
0xf: {  	_ =	swait.ge [sflag:s6], $0x200  }
0x10: {  	[sflag:s6] =	ssyncset.done $0x0  }
0x11: {  	[sflag:s6] =	ssyncadd.s32 $0xFFFFFE00  }
0x12: {  	v0 =	vld [tilespmem:s0+$0x0];
	_ =	sdelay $0x4  }
0x13: {  	v0 =	vshll.u32 v0, $0x4  }
0x14: {  	(v2sf) =	vpush v0, $0x0  }
0x15: {  	(v2sf) =	vpush v0, $0xF  }
0x16: {  	(v2sf) =	vpush v0, $0x6  }
0x17: {  	(v2sf) =	vpush v0, $0x5  }
0x18: {  	(v2sf) =	vpush v0, $0xE  }
0x19: {  	(v2sf) =	vpush v0, $0x9  }
0x1a: {  	(v2sf) =	vpush v0, $0xD  }
0x1b: {  	(v2sf) =	vpush v0, $0x3  }
0x1c: {  	(v2sf) =	vpush v0, $0x2  }
0x1d: {  	(v2sf) =	vpush v0, $0xA  }
0x1e: {  	(v2sf) =	vpush v0, $0x7  }
0x1f: {  	(v2sf) =	vpush v0, $0xC  }
0x20: {  	(v2sf) =	vpush v0, $0x8  }
0x21: {  	(v2sf) =	vpush v0, $0x4  }
0x22: {  	(v2sf) =	vpush v0, $0x1  }
0x23: {  	s14 =	spop (v2sf);
	(v2sf) =	vpush v0, $0xB  }
0x24: {  	s10 =	spop (v2sf)  }
0x25: {  	s15 =	spop (v2sf)  }
0x26: {  	s16 =	spop (v2sf)  }
0x27: {  	s11 =	spop (v2sf)  }
0x28: {  	s17 =	spop (v2sf)  }
0x29: {  	s13 =	spop (v2sf)  }
0x2a: {  	s18 =	spop (v2sf)  }
0x2b: {  	s19 =	spop (v2sf)  }
0x2c: {  	s20 =	spop (v2sf)  }
0x2d: {  	s12 =	rddreg [dreg:$0x3];
	s21 =	spop (v2sf)  }
0x2e: {  	s12 =	sadd.s32 $0x0, s12;
	s22 =	spop (v2sf)  }
0x2f: {  	s9 =	sadd.s32 $0x10, s12;
	s28 =	sadd.s32 $0x20, s12;
	s23 =	spop (v2sf)  }
0x30: {  	s30 =	sadd.s32 $0x30, s12;
	s0 =	sadd.s32 $0x40, s12;
	s24 =	spop (v2sf)  }
0x31: {  	s2 =	sadd.s32 $0x50, s12;
	s14 =	sand.u32 $0x1FFFFFF0, s14;
	s25 =	spop (v2sf)  }
0x32: {  	s14 =	sadd.s32 s3, s14;
	s25 =	sand.u32 $0x1FFFFFF0, s25;
	s26 =	spop (v2sf)  }
0x33: {  	[hbm:s12], [sflag:s7] =	dma.local [hbm:s14], $0x10  }
0x34: {  	s5 =	sadd.s32 $0x60, s12;
	s10 =	sand.u32 $0x1FFFFFF0, s10;
	s25 =	sadd.s32 s3, s25  }
0x35: {  	[hbm:s9], [sflag:s7] =	dma.local [hbm:s25], $0x10  }
0x36: {  	s4 =	sand.u32 $0x1FFFFFF0, s15;
	s10 =	sadd.s32 s3, s10;
	s25 =	sand.u32 $0x1FFFFFF0, s19  }
0x37: {  	s1 =	sand.u32 $0x1FFFFFF0, s16;
	s29 =	sand.u32 $0x1FFFFFF0, s18;
	s14 =	sadd.s32 s3, s25  }
0x38: {  	[hbm:s28], [sflag:s7] =	dma.local [hbm:s14], $0x10  }
0x39: {  	s11 =	sand.u32 $0x1FFFFFF0, s11;
	s31 =	sand.u32 $0x1FFFFFF0, s24;
	s14 =	sadd.s32 s3, s29  }
0x3a: {  	[hbm:s30], [sflag:s7] =	dma.local [hbm:s14], $0x10  }
0x3b: {  	s16 =	sadd.s32 $0x80, s12;
	s11 =	sadd.s32 s3, s11;
	s14 =	sadd.s32 s3, s31  }
0x3c: {  	[hbm:s0], [sflag:s7] =	dma.local [hbm:s14], $0x10  }
0x3d: {  	s13 =	sand.u32 $0x1FFFFFF0, s13;
	s18 =	sand.u32 $0x1FFFFFF0, s17;
	s14 =	sadd.s32 s3, s1  }
0x3e: {  	[hbm:s2], [sflag:s7] =	dma.local [hbm:s14], $0x10  }
0x3f: {  	s13 =	sadd.s32 s3, s13;
	s6 =	sand.u32 $0x1FFFFFF0, s21;
	s14 =	sadd.s32 s3, s4  }
0x40: {  	[hbm:s5], [sflag:s7] =	dma.local [hbm:s14], $0x10  }
0x41: {  	s15 =	sand.u32 $0x1FFFFFF0, s23;
	s9 =	sadd.s32 $0x70, s12;
	s14 =	sadd.s32 s3, s6  }
0x42: {  	[hbm:s9], [sflag:s7] =	dma.local [hbm:s14], $0x10  }
0x43: {  	s21 =	sand.u32 $0x1FFFFFF0, s20;
	s23 =	sadd.s32 $0xA0, s12;
	s14 =	sadd.s32 s3, s15  }
0x44: {  	[hbm:s16], [sflag:s7] =	dma.local [hbm:s14], $0x10  }
0x45: {  	s24 =	sand.u32 $0x1FFFFFF0, s26;
	s19 =	sadd.s32 $0x90, s12;
	s14 =	sadd.s32 s3, s18  }
0x46: {  	[hbm:s19], [sflag:s7] =	dma.local [hbm:s14], $0x10  }
0x47: {  	s26 =	sand.u32 $0x1FFFFFF0, s22;
	s25 =	sadd.s32 $0xB0, s12;
	s14 =	sadd.s32 s3, s21  }
0x48: {  	[hbm:s23], [sflag:s7] =	dma.local [hbm:s14], $0x10  }
0x49: {  	s28 =	sadd.s32 $0xC0, s12;
	s29 =	sadd.s32 $0xD0, s12;
	s14 =	sadd.s32 s3, s24  }
0x4a: {  	[hbm:s25], [sflag:s7] =	dma.local [hbm:s14], $0x10  }
0x4b: {  	s30 =	sadd.s32 $0xE0, s12;
	s31 =	sadd.s32 $0xF0, s12;
	s14 =	sadd.s32 s3, s26  }
0x4c: {  	[hbm:s28], [sflag:s7] =	dma.local [hbm:s14], $0x10  }
0x4d: {  	[hbm:s29], [sflag:s7] =	dma.local [hbm:s13], $0x10  }
0x4e: {  	[hbm:s30], [sflag:s7] =	dma.local [hbm:s11], $0x10  }
0x4f: {  	[hbm:s31], [sflag:s7] =	dma.local [hbm:s10], $0x10  }
0x50: {  	_ =	swait.ge [sflag:s8], $0x10  }
0x51: {  	[sflag:s8] =	ssyncset.done $0x0  }
0x52: {  	[sflag:s8] =	ssyncadd.s32 $0xFFFFFFF0  }
0x53: {  	_ =	swait.ge [sflag:s8], $0x10  }
0x54: {  	[sflag:s8] =	ssyncset.done $0x0  }
0x55: {  	[sflag:s8] =	ssyncadd.s32 $0xFFFFFFF0  }
0x56: {  	_ =	swait.ge [sflag:s8], $0x10  }
0x57: {  	[sflag:s8] =	ssyncset.done $0x0  }
0x58: {  	[sflag:s8] =	ssyncadd.s32 $0xFFFFFFF0  }
0x59: {  	_ =	swait.ge [sflag:s8], $0x10  }
0x5a: {  	[sflag:s8] =	ssyncset.done $0x0  }
0x5b: {  	[sflag:s8] =	ssyncadd.s32 $0xFFFFFFF0  }
0x5c: {  	_ =	swait.ge [sflag:s8], $0x10  }
0x5d: {  	[sflag:s8] =	ssyncset.done $0x0  }
0x5e: {  	[sflag:s8] =	ssyncadd.s32 $0xFFFFFFF0  }
0x5f: {  	_ =	swait.ge [sflag:s8], $0x10  }
0x60: {  	s18 =	simm.s32 $0x0;
	s10 =	simm.s32 $0x100;
	[sflag:s8] =	ssyncset.done $0x0  }
.LBB2_2:
0x61: {  	[sflag:s8] =	ssyncadd.s32 $0xFFFFFFF0  }
0x62: {  	_ =	swait.ge [sflag:s8], $0x10  }
0x63: {  	[sflag:s8] =	ssyncset.done $0x0  }
0x64: {  	[sflag:s8] =	ssyncadd.s32 $0xFFFFFFF0  }
0x65: {  	_ =	swait.ge [sflag:s8], $0x10  }
0x66: {  	[sflag:s8] =	ssyncset.done $0x0  }
0x67: {  	[sflag:s8] =	ssyncadd.s32 $0xFFFFFFF0  }
0x68: {  	_ =	swait.ge [sflag:s8], $0x10  }
0x69: {  	[sflag:s8] =	ssyncset.done $0x0  }
0x6a: {  	[sflag:s8] =	ssyncadd.s32 $0xFFFFFFF0  }
0x6b: {  	_ =	swait.ge [sflag:s8], $0x10  }
0x6c: {  	[sflag:s8] =	ssyncset.done $0x0  }
0x6d: {  	[sflag:s8] =	ssyncadd.s32 $0xFFFFFFF0  }
0x6e: {  	_ =	swait.ge [sflag:s8], $0x10  }
0x6f: {  	[sflag:s8] =	ssyncset.done $0x0  }
0x70: {  	[sflag:s8] =	ssyncadd.s32 $0xFFFFFFF0  }
0x71: {  	_ =	swait.ge [sflag:s8], $0x10  }
0x72: {  	[sflag:s8] =	ssyncset.done $0x0  }
0x73: {  	[sflag:s8] =	ssyncadd.s32 $0xFFFFFFF0  }
0x74: {  	_ =	swait.ge [sflag:s8], $0x10  }
0x75: {  	[sflag:s8] =	ssyncset.done $0x0  }
0x76: {  	[sflag:s8] =	ssyncadd.s32 $0xFFFFFFF0  }
0x77: {  	_ =	swait.ge [sflag:s8], $0x10  }
0x78: {  	[sflag:s8] =	ssyncset.done $0x0  }
0x79: {  	[sflag:s8] =	ssyncadd.s32 $0xFFFFFFF0  }
0x7a: {  	_ =	swait.ge [sflag:s8], $0x10  }
0x7b: {  	[sflag:s8] =	ssyncset.done $0x0  }
0x7c: {  	[sflag:s8] =	ssyncadd.s32 $0xFFFFFFF0  }
0x7d: {  	_ =	swait.ge [sflag:s8], $0x10  }
0x7e: {  	[sflag:s8] =	ssyncset.done $0x0  }
0x7f: {  	s18 =	sadd.s32 $0x10, s18;
	[sflag:s8] =	ssyncadd.s32 $0xFFFFFFF0  }
0x80: {  	v0 =	vld [tilespmem:s18+$0x0];
	_ =	sdelay $0x4  }
0x81: {  	v0 =	vshll.u32 v0, $0x4  }
0x82: {  	(v2sf) =	vpush v0, $0x0  }
0x83: {  	(v2sf) =	vpush v0, $0xF  }
0x84: {  	(v2sf) =	vpush v0, $0x6  }
0x85: {  	(v2sf) =	vpush v0, $0x5  }
0x86: {  	(v2sf) =	vpush v0, $0xE  }
0x87: {  	(v2sf) =	vpush v0, $0x9  }
0x88: {  	(v2sf) =	vpush v0, $0xD  }
0x89: {  	(v2sf) =	vpush v0, $0x3  }
0x8a: {  	(v2sf) =	vpush v0, $0x2  }
0x8b: {  	(v2sf) =	vpush v0, $0xA  }
0x8c: {  	s12 =	smov.u32 s10;
	s13 =	rddreg [dreg:$0x3];
	(v2sf) =	vpush v0, $0x7  }
0x8d: {  	s21 =	sadd.s32 s12, s13;
	(v2sf) =	vpush v0, $0xC  }
0x8e: {  	s0 =	sadd.s32 $0x70, s21;
	s6 =	sadd.s32 $0x80, s21;
	s19 =	sadd.s32 $0x40, s21;
	(v2sf) =	vpush v0, $0x8  }
0x8f: {  	s9 =	sadd.s32 $0xA0, s21;
	s11 =	sadd.s32 $0xF0, s21;
	s12 =	sadd.s32 $0xD0, s21;
	(v2sf) =	vpush v0, $0x4  }
0x90: {  	s13 =	sadd.s32 $0xE0, s21;
	s20 =	sadd.s32 $0xB0, s21;
	[dreg:$0x6] =	wrdreg s0;
	(v2sf) =	vpush v0, $0x1  }
0x91: {  	s24 =	sadd.s32 $0x10, s21;
	[dreg:$0x5] =	wrdreg s6;
	s29 =	spop (v2sf)  }
0x92: {  	s25 =	sadd.s32 $0x30, s21;
	[dreg:$0x9] =	wrdreg s9;
	(v2sf) =	vpush v0, $0xB;
	s22 =	spop (v2sf)  }
0x93: {  	s28 =	sadd.s32 $0x60, s21;
	[dreg:$0x4] =	wrdreg s11;
	s23 =	spop (v2sf)  }
0x94: {  	s4 =	sadd.s32 $0x50, s21;
	[dreg:$0x8] =	wrdreg s12;
	s14 =	spop (v2sf)  }
0x95: {  	[dreg:$0x7] =	wrdreg s13;
	s13 =	sadd.s32 $0xC0, s21;
	s15 =	spop (v2sf)  }
0x96: {  	s6 =	sadd.s32 $0x20, s21;
	s12 =	sadd.s32 $0x90, s21;
	s16 =	spop (v2sf)  }
0x97: {  	s29 =	sand.u32 $0x1FFFFFF0, s29;
	s30 =	sand.u32 $0x1FFFFFF0, s22;
	s1 =	spop (v2sf)  }
0x98: {  	s29 =	sadd.s32 s3, s29;
	s26 =	sand.u32 $0x1FFFFFF0, s23;
	s2 =	spop (v2sf)  }
0x99: {  	s31 =	sand.u32 $0x1FFFFFF0, s14;
	s26 =	sadd.s32 s3, s26;
	s5 =	spop (v2sf)  }
0x9a: {  	s22 =	sand.u32 $0x1FFFFFF0, s15;
	s23 =	sand.u32 $0x1FFFFFF0, s16;
	s9 =	spop (v2sf)  }
0x9b: {  	s31 =	sadd.s32 s3, s31;
	s23 =	sadd.s32 s3, s23;
	s17 =	spop (v2sf)  }
0x9c: {  	s1 =	sand.u32 $0x1FFFFFF0, s1;
	s2 =	sand.u32 $0x1FFFFFF0, s2;
	s11 =	spop (v2sf)  }
0x9d: {  	s5 =	sand.u32 $0x1FFFFFF0, s5;
	s2 =	sadd.s32 s3, s2;
	s14 =	spop (v2sf)  }
0x9e: {  	s9 =	sand.u32 $0x1FFFFFF0, s9;
	s5 =	sadd.s32 s3, s5;
	s15 =	spop (v2sf)  }
0x9f: {  	s0 =	sand.u32 $0x1FFFFFF0, s17;
	s9 =	sadd.s32 s3, s9;
	s16 =	spop (v2sf)  }
0xa0: {  	s11 =	sand.u32 $0x1FFFFFF0, s11;
	s15 =	sand.u32 $0x1FFFFFF0, s15;
	s16 =	sand.u32 $0x1FFFFFF0, s16  }
0xa1: {  	s17 =	spop (v2sf);
	s15 =	sadd.s32 s3, s15;
	s16 =	sadd.s32 s3, s16  }
0xa2: {  	[hbm:s21], [sflag:s7] =	dma.local [hbm:s29], $0x10  }
0xa3: {  	[hbm:s24], [sflag:s7] =	dma.local [hbm:s16], $0x10  }
0xa4: {  	[hbm:s6], [sflag:s7] =	dma.local [hbm:s5], $0x10  }
0xa5: {  	[hbm:s25], [sflag:s7] =	dma.local [hbm:s2], $0x10  }
0xa6: {  	[hbm:s19], [sflag:s7] =	dma.local [hbm:s15], $0x10  }
0xa7: {  	[hbm:s4], [sflag:s7] =	dma.local [hbm:s31], $0x10  }
0xa8: {  	[hbm:s28], [sflag:s7] =	dma.local [hbm:s26], $0x10  }
0xa9: {  	s0 =	sadd.s32 s3, s0;
	s14 =	sand.u32 $0x1FFFFFF0, s14;
	s28 =	rddreg [dreg:$0x6]  }
0xaa: {  	[hbm:s28], [sflag:s7] =	dma.local [hbm:s0], $0x10  }
0xab: {  	s14 =	sadd.s32 s3, s14;
	s17 =	sand.u32 $0x1FFFFFF0, s17;
	s0 =	rddreg [dreg:$0x5]  }
0xac: {  	[hbm:s0], [sflag:s7] =	dma.local [hbm:s14], $0x10  }
0xad: {  	[hbm:s12], [sflag:s7] =	dma.local [hbm:s23], $0x10  }
0xae: {  	s11 =	sadd.s32 s3, s11;
	s17 =	sadd.s32 s3, s17;
	s29 =	rddreg [dreg:$0x9]  }
0xaf: {  	[hbm:s29], [sflag:s7] =	dma.local [hbm:s9], $0x10  }
0xb0: {  	[hbm:s20], [sflag:s7] =	dma.local [hbm:s17], $0x10  }
0xb1: {  	[hbm:s13], [sflag:s7] =	dma.local [hbm:s11], $0x10  }
0xb2: {  	s1 =	sadd.s32 s3, s1;
	s31 =	rddreg [dreg:$0x8]  }
0xb3: {  	[hbm:s31], [sflag:s7] =	dma.local [hbm:s1], $0x10  }
0xb4: {  	s22 =	sadd.s32 s3, s22;
	s0 =	rddreg [dreg:$0x7]  }
0xb5: {  	[hbm:s0], [sflag:s7] =	dma.local [hbm:s22], $0x10  }
0xb6: {  	s30 =	sadd.s32 s3, s30;
	s0 =	rddreg [dreg:$0x4]  }
0xb7: {  	[hbm:s0], [sflag:s7] =	dma.local [hbm:s30], $0x10  }
0xb8: {  	_ =	swait.ge [sflag:s8], $0x10  }
0xb9: {  	[sflag:s8] =	ssyncset.done $0x0  }
0xba: {  	[sflag:s8] =	ssyncadd.s32 $0xFFFFFFF0  }
0xbb: {  	_ =	swait.ge [sflag:s8], $0x10  }
0xbc: {  	[sflag:s8] =	ssyncset.done $0x0  }
0xbd: {  	[sflag:s8] =	ssyncadd.s32 $0xFFFFFFF0  }
0xbe: {  	_ =	swait.ge [sflag:s8], $0x10  }
0xbf: {  	[sflag:s8] =	ssyncset.done $0x0  }
0xc0: {  	[sflag:s8] =	ssyncadd.s32 $0xFFFFFFF0  }
0xc1: {  	_ =	swait.ge [sflag:s8], $0x10  }
0xc2: {  	[sflag:s8] =	ssyncset.done $0x0  }
0xc3: {  	p0 =	sne.s32 s10, $0x1F00;
	[sflag:s8] =	ssyncadd.s32 $0xFFFFFFF0  }
.Ltmp0:
0xc4: {  	_ =	swait.ge [sflag:s8], $0x10;
	(pc) =	sbr.rel @p0 .LBB2_2-.Ltmp0, $4  }
0xc5: {  	[sflag:s8] =	ssyncset.done $0x0  }
0xc6: {  	[sflag:s8] =	ssyncadd.s32 $0xFFFFFFF0  }
0xc7: {  	_ =	swait.ge [sflag:s8], $0x10  }
0xc8: {  	s10 =	sadd.s32 $0x100, s10;
	[sflag:s8] =	ssyncset.done $0x0  }
0xc9: {  	[sflag:s8] =	ssyncadd.s32 $0xFFFFFFF0  }
0xca: {  	_ =	swait.ge [sflag:s8], $0x10  }
0xcb: {  	[sflag:s8] =	ssyncset.done $0x0  }
0xcc: {  	[sflag:s8] =	ssyncadd.s32 $0xFFFFFFF0  }
0xcd: {  	_ =	swait.ge [sflag:s8], $0x10  }
0xce: {  	[sflag:s8] =	ssyncset.done $0x0  }
0xcf: {  	[sflag:s8] =	ssyncadd.s32 $0xFFFFFFF0  }
0xd0: {  	_ =	swait.ge [sflag:s8], $0x10  }
0xd1: {  	[sflag:s8] =	ssyncset.done $0x0  }
0xd2: {  	[sflag:s8] =	ssyncadd.s32 $0xFFFFFFF0  }
0xd3: {  	_ =	swait.ge [sflag:s8], $0x10  }
0xd4: {  	[sflag:s8] =	ssyncset.done $0x0  }
0xd5: {  	[sflag:s8] =	ssyncadd.s32 $0xFFFFFFF0  }
0xd6: {  	_ =	swait.ge [sflag:s8], $0x10  }
0xd7: {  	[sflag:s8] =	ssyncset.done $0x0  }
0xd8: {  	[sflag:s8] =	ssyncadd.s32 $0xFFFFFFF0  }
0xd9: {  	_ =	swait.ge [sflag:s8], $0x10  }
0xda: {  	[sflag:s8] =	ssyncset.done $0x0  }
0xdb: {  	[sflag:s8] =	ssyncadd.s32 $0xFFFFFFF0  }
0xdc: {  	_ =	swait.ge [sflag:s8], $0x10  }
0xdd: {  	[sflag:s8] =	ssyncset.done $0x0  }
0xde: {  	[sflag:s8] =	ssyncadd.s32 $0xFFFFFFF0  }
0xdf: {  	_ =	swait.ge [sflag:s8], $0x10  }
0xe0: {  	[sflag:s8] =	ssyncset.done $0x0  }
0xe1: {  	[sflag:s8] =	ssyncadd.s32 $0xFFFFFFF0  }
0xe2: {  	_ =	swait.ge [sflag:s8], $0x10  }
0xe3: {  	[sflag:s8] =	ssyncset.done $0x0  }
0xe4: {  	[sflag:s8] =	ssyncadd.s32 $0xFFFFFFF0  }
0xe5: {  	_ =	swait.ge [sflag:s8], $0x10  }
0xe6: {  	s1 =	rddreg [dreg:$0xc]  }
0xe7: {  	s0 =	rddreg [dreg:$0xb];
	s1 =	sadd.s32 $0x1, s1  }
0xe8: {  	p0 =	sne.s32 s1, s0  }
.Ltmp1:
0xe9: {  	_ = 	snop;
	(pc) =	sbr.rel @p0 .LBB2_1-.Ltmp1, $3  }
0xea: {  	_ =	sdelay $0x1  }
0xeb: {  	[sflag:s8] =	ssyncset.done $0x0  }
0xec: {  	[sflag:s8] =	ssyncadd.s32 $0xFFFFFFF0  }
0xed: {  	_ =	sfence.sel $0x180000  }
0xee: {  	[bflag:$0x0] =	sbarrier.arrive $0xFFFF  }
0xef: {  	_ =	strace $0x90000047  }
0xf0: {  	s0 =	stileid.u32;
	[bflag:$0x2] =	sbarrier.arrive $0xFFFF  }
0xf1: {  	p0 =	sne.s32 s0, $0x0;
	s0 =	rddreg [dreg:$0x2]  }
0xf2: {  	s0 =	sadd.s32 @!p0 $0x100000, s0  }
0xf3: {  	[sflag:s0] =	ssyncadd.tile.s32 @!p0 $0x1;
	_ =	shalt  }
.Lfunc_end2:
_tile_overlayer_lowered:
.L_overlay_start_2:
0xf4: {  	(tag) =	ssettag $0x2  }
0xf5: {  	s0 =	rddreg [dreg:$0x0];
	s2 =	stileid.u32  }
0xf6: {  	s1 =	rddreg [dreg:$0x1];
	p0 =	sne.s32 s2, $0x0  }
0xf7: {  	s3 =	rddreg [dreg:$0x2];
	[bflag:$0x3] =	sbarrier.arrive $0xFFFF;
	s2 =	simm.s32 @!p0 $0x1C02  }
0xf8: {  	[timem:s3], [sflag:s2] =	dma.local @!p0 [hbm:s0], s1  }
0xf9: {  	s0 =	simm.s32 @!p0 $0x2  }
0xfa: {  	_ =	swait.ge @!p0 [sflag:s0], s1  }
0xfb: {  	s1 =	ssub.s32 @!p0 $0x0, s1;
	[sflag:s0] =	ssyncset.done @!p0 $0x0  }
0xfc: {  	[sflag:s0] =	ssyncadd.s32 @!p0 s1  }
0xfd: {  	[bflag:$0x3] =	sbarrier.arrive $0xFFFF  }
0xfe: {  	_ =	shalt  }

</sc_bundles>
